<compile_context>
chip_gen: v7x
topology: tpu7x:2x2x1
jax: 0.10.2.dev20260603
libtpu: 0.0.44.dev20260713+nightly
codegen_flags: <defaults>
</compile_context>

<pallas_src>
import jax
import jax.numpy as jnp
from jax import lax
from jax.experimental import pallas as pl
from jax.experimental.pallas import tpu as pltpu
from jax.experimental.pallas import tpu_sc as plsc

EMB = 64
WIN = 5
RAD = WIN // 2
CHUNK = 98
TOKW = CHUNK + WIN - 1
NCORES = 2
NSUB = 16
NWORK = NCORES * NSUB
BLANES = 32
NEB = EMB // BLANES


def _sc_body(tok_hbm, ctr_hbm, w_hbm, k_hbm, out_hbm,
             tok_all, ctr_all,
             w_rows0, k_rows0, out_v0,
             w_rows1, k_rows1, out_v1,
             sem_w0, sem_k0, sem_o0, sem_w1, sem_k1, sem_o1):
    c = lax.axis_index("c")
    s = lax.axis_index("s")
    wid = s * NCORES + c
    per = tok_hbm.shape[0] // NWORK
    base = wid * per

    pltpu.sync_copy(tok_hbm.at[pl.ds(base, per)], tok_all)
    pltpu.sync_copy(ctr_hbm.at[pl.ds(base, per)], ctr_all)

    bufs = ((w_rows0, k_rows0, out_v0, sem_w0, sem_k0, sem_o0),
            (w_rows1, k_rows1, out_v1, sem_w1, sem_k1, sem_o1))

    def issue(j, buf):
        w_rows, k_rows, _, sem_w, sem_k, _ = buf
        jj = jnp.minimum(j, per - 1)
        pltpu.async_copy(w_hbm.at[tok_all.at[jj]], w_rows, sem_w)
        pltpu.async_copy(k_hbm.at[ctr_all.at[jj]], k_rows, sem_k)

    def wait_gathers(buf):
        w_rows, k_rows, _, sem_w, sem_k, _ = buf
        pltpu.make_async_copy(w_hbm.at[tok_all.at[0]], w_rows, sem_w).wait()
        pltpu.make_async_copy(k_hbm.at[ctr_all.at[0]], k_rows, sem_k).wait()

    def wait_out(buf):
        _, _, out_v, _, _, sem_o = buf
        pltpu.make_async_copy(out_v, out_hbm.at[base], sem_o).wait()

    def compute(buf):
        w_rows, k_rows, out_v = buf[0], buf[1], buf[2]

        @pl.loop(0, CHUNK)
        def _(p):
            for eb in range(NEB):
                off = eb * BLANES
                m = None
                for w in range(WIN):
                    a = w_rows[p + w, pl.ds(off, BLANES)]
                    b = k_rows[p, pl.ds(w * EMB + off, BLANES)]
                    prod = a * b
                    m = prod if m is None else jnp.maximum(m, prod)
                out_v[p, pl.ds(off, BLANES)] = m

    issue(0, bufs[0])

    @pl.loop(0, per, step=2)
    def _(i):
        issue(i + 1, bufs[1])
        wait_gathers(bufs[0])

        @pl.when(i > 0)
        def _():
            wait_out(bufs[0])

        compute(bufs[0])
        pltpu.async_copy(out_v0, out_hbm.at[base + i], sem_o0)

        issue(i + 2, bufs[0])
        wait_gathers(bufs[1])

        @pl.when(i > 0)
        def _():
            wait_out(bufs[1])

        compute(bufs[1])
        pltpu.async_copy(out_v1, out_hbm.at[base + i + 1], sem_o1)

    wait_gathers(bufs[0])
    wait_out(bufs[0])
    wait_out(bufs[1])


def kernel(seq, W, K):
    B, L = seq.shape
    vocab = W.shape[0]
    n_pos = L - WIN + 1
    nper = n_pos // CHUNK
    nchunk = B * nper
    seq = seq.astype(jnp.int32)

    tok = jnp.stack(
        [seq[:, j * CHUNK: j * CHUNK + TOKW] for j in range(nper)], axis=1
    ).reshape(nchunk, TOKW)
    ctr = jnp.stack(
        [seq[:, j * CHUNK + RAD: j * CHUNK + RAD + CHUNK] for j in range(nper)],
        axis=1,
    ).reshape(nchunk, CHUNK)
    w16 = W.astype(jnp.bfloat16)
    k16 = K.astype(jnp.bfloat16).reshape(vocab, WIN * EMB)

    per = nchunk // NWORK
    mesh = plsc.VectorSubcoreMesh(core_axis_name="c", subcore_axis_name="s")
    fn = pl.kernel(
        _sc_body,
        out_type=jax.ShapeDtypeStruct((nchunk, CHUNK, EMB), jnp.bfloat16),
        mesh=mesh,
        compiler_params=pltpu.CompilerParams(use_tc_tiling_on_sc=False),
        scratch_types=[
            pltpu.VMEM((per, TOKW), jnp.int32),
            pltpu.VMEM((per, CHUNK), jnp.int32),
            pltpu.VMEM((TOKW, EMB), jnp.bfloat16),
            pltpu.VMEM((CHUNK, WIN * EMB), jnp.bfloat16),
            pltpu.VMEM((CHUNK, EMB), jnp.bfloat16),
            pltpu.VMEM((TOKW, EMB), jnp.bfloat16),
            pltpu.VMEM((CHUNK, WIN * EMB), jnp.bfloat16),
            pltpu.VMEM((CHUNK, EMB), jnp.bfloat16),
            pltpu.SemaphoreType.DMA,
            pltpu.SemaphoreType.DMA,
            pltpu.SemaphoreType.DMA,
            pltpu.SemaphoreType.DMA,
            pltpu.SemaphoreType.DMA,
            pltpu.SemaphoreType.DMA,
        ],
    )
    out = fn(tok, ctr, w16, k16)
    return out.reshape(B, n_pos, EMB).astype(jnp.float32)

# --- scband reference (transcript-rebuilt; emitter-appended) ---
"""Pipeline reference for scband-word-context-region-embedding-layer-32667521254123 (READ-ONLY COPY).

The authoritative reference and input builder live on the scoring server;
editing this copy changes nothing except your own understanding.
"""

import jax, jax.numpy as jnp
import numpy as np

VOCAB = 100000
EMB = 64
WIN = 5
B = 1024
L = 200

def setup_inputs(seed: int = 0) -> dict:
    key = jax.random.key(seed)
    k1, k2, k3 = jax.random.split(key, 3)
    seq = jax.random.randint(k1, (B, L), 0, VOCAB)
    # variance-scaling style init
    W = jax.random.normal(k2, (VOCAB, EMB), dtype=jnp.float32) * (2.0 / EMB) ** 0.5
    K = jax.random.normal(k3, (VOCAB, WIN, EMB), dtype=jnp.float32) * (2.0 / EMB) ** 0.5
    return {"seq": seq, "W": W, "K": K}

def reference(seq, W, K):
    win = WIN
    rad = win // 2
    Bv, Lv = seq.shape
    n_pos = Lv - win + 1
    # WindowAlignmentLayer: sliding windows of size win
    idx = jnp.arange(n_pos)[:, None] + jnp.arange(win)[None, :]  # [n_pos, win]
    win_aligned_seq = seq[:, idx]                                # [B, n_pos, win]
    # word embedding lookup on window-aligned sequence
    win_aligned_emb = jnp.take(W, win_aligned_seq, axis=0)       # [B, n_pos, win, emb]
    # context units for center words
    trimed_seq = seq[:, rad:Lv - rad]                            # [B, n_pos]
    context_unit = jnp.take(K, trimed_seq, axis=0)               # [B, n_pos, win, emb]
    projected_emb = win_aligned_emb * context_unit
    # win_merge_fn = reduce_max over window axis (axis=2)
    return jnp.max(projected_emb, axis=2)                        # [B, n_pos, emb]

if __name__ == "__main__":
    import jax
    _d = setup_inputs()
    print(jax.jit(kernel)(*tuple(_d.values())))

</pallas_src>

<mosaic_0001>
#map = affine_map<(d0, d1) -> (0, 0)>
#map1 = affine_map<(d0, d1) -> (0, 0, 0)>
module attributes {stable_mosaic.version = 14 : i64} {
  func.func @_sc_body(%arg0: i32, %arg1: i32, %arg2: memref<2048x102xi32, #tpu.memory_space<hbm>>, %arg3: memref<2048x98xi32, #tpu.memory_space<hbm>>, %arg4: memref<100000x64xbf16, #tpu.memory_space<hbm>>, %arg5: memref<100000x320xbf16, #tpu.memory_space<hbm>>, %arg6: memref<2048x98x64xbf16, #tpu.memory_space<hbm>>, %arg7: memref<64x102xi32, #tpu.memory_space<vmem>>, %arg8: memref<64x98xi32, #tpu.memory_space<vmem>>, %arg9: memref<102x64xbf16, #tpu.memory_space<vmem>>, %arg10: memref<98x320xbf16, #tpu.memory_space<vmem>>, %arg11: memref<98x64xbf16, #tpu.memory_space<vmem>>, %arg12: memref<102x64xbf16, #tpu.memory_space<vmem>>, %arg13: memref<98x320xbf16, #tpu.memory_space<vmem>>, %arg14: memref<98x64xbf16, #tpu.memory_space<vmem>>, %arg15: memref<!tpu.dma_semaphore, #tpu.memory_space<semaphore_mem>>, %arg16: memref<!tpu.dma_semaphore, #tpu.memory_space<semaphore_mem>>, %arg17: memref<!tpu.dma_semaphore, #tpu.memory_space<semaphore_mem>>, %arg18: memref<!tpu.dma_semaphore, #tpu.memory_space<semaphore_mem>>, %arg19: memref<!tpu.dma_semaphore, #tpu.memory_space<semaphore_mem>>, %arg20: memref<!tpu.dma_semaphore, #tpu.memory_space<semaphore_mem>>) attributes {dimension_semantics = [#tpu.dimension_semantics<core_parallel>, #tpu.dimension_semantics<subcore_parallel>], iteration_bounds = array<i64: 2, 16>, scalar_prefetch = 0 : i64, scratch_operands = 14 : i64, tpu.core_type = #tpu.core_type<sc_vector_subcore>, window_params = [{transform_indices = #map}, {transform_indices = #map}, {transform_indices = #map}, {transform_indices = #map}, {transform_indices = #map1}]} {
    %mul3A = arith.constant 2 : i32
    %mul3A_0 = arith.muli %arg1, %mul3A : i32
    %add3A = arith.addi %mul3A_0, %arg0 : i32
    %mul3A_1 = arith.constant 64 : i32
    %mul3A_2 = arith.muli %add3A, %mul3A_1 : i32
    "tpu.region"() ({
      %run_scoped3A = tpu.sem_alloc : memref<!tpu.dma_semaphore, #tpu.memory_space<semaphore_mem>>
      %dma_start3A_49 = arith.constant 0 : i32
      %dma_start3A_50 = tpu.memref_slice %arg2[%mul3A_2, %dma_start3A_49] : memref<2048x102xi32, #tpu.memory_space<hbm>> -> memref<64x102xi32, #tpu.memory_space<hbm>>
      %dma_start3A_51 = arith.constant 0 : i32
      %dma_start3A_52 = tpu.memref_slice %arg2[%mul3A_2, %dma_start3A_51] : memref<2048x102xi32, #tpu.memory_space<hbm>> -> memref<64x102xi32, #tpu.memory_space<hbm>>
      tpu.enqueue_dma source(%dma_start3A_52 : memref<64x102xi32, #tpu.memory_space<hbm>>) target(%arg7 : memref<64x102xi32, #tpu.memory_space<vmem>>) target_semaphore(%run_scoped3A : memref<!tpu.dma_semaphore, #tpu.memory_space<semaphore_mem>>)
      %dma_wait3A_53 = arith.constant 0 : i32
      %dma_wait3A_54 = tpu.memref_slice %arg2[%mul3A_2, %dma_wait3A_53] : memref<2048x102xi32, #tpu.memory_space<hbm>> -> memref<64x102xi32, #tpu.memory_space<hbm>>
      %dma_wait3A_55 = arith.constant 0 : i32
      %dma_wait3A_56 = tpu.memref_slice %arg2[%mul3A_2, %dma_wait3A_55] : memref<2048x102xi32, #tpu.memory_space<hbm>> -> memref<64x102xi32, #tpu.memory_space<hbm>>
      tpu.wait_dma2 semaphore(%run_scoped3A : memref<!tpu.dma_semaphore, #tpu.memory_space<semaphore_mem>>) src(%dma_wait3A_56 : memref<64x102xi32, #tpu.memory_space<hbm>>) dst(%arg7 : memref<64x102xi32, #tpu.memory_space<vmem>>)
      tpu.yield
    }) : () -> ()
    "tpu.region"() ({
      %run_scoped3A = tpu.sem_alloc : memref<!tpu.dma_semaphore, #tpu.memory_space<semaphore_mem>>
      %dma_start3A_49 = arith.constant 0 : i32
      %dma_start3A_50 = tpu.memref_slice %arg3[%mul3A_2, %dma_start3A_49] : memref<2048x98xi32, #tpu.memory_space<hbm>> -> memref<64x98xi32, #tpu.memory_space<hbm>>
      %dma_start3A_51 = arith.constant 0 : i32
      %dma_start3A_52 = tpu.memref_slice %arg3[%mul3A_2, %dma_start3A_51] : memref<2048x98xi32, #tpu.memory_space<hbm>> -> memref<64x98xi32, #tpu.memory_space<hbm>>
      tpu.enqueue_dma source(%dma_start3A_52 : memref<64x98xi32, #tpu.memory_space<hbm>>) target(%arg8 : memref<64x98xi32, #tpu.memory_space<vmem>>) target_semaphore(%run_scoped3A : memref<!tpu.dma_semaphore, #tpu.memory_space<semaphore_mem>>)
      %dma_wait3A_53 = arith.constant 0 : i32
      %dma_wait3A_54 = tpu.memref_slice %arg3[%mul3A_2, %dma_wait3A_53] : memref<2048x98xi32, #tpu.memory_space<hbm>> -> memref<64x98xi32, #tpu.memory_space<hbm>>
      %dma_wait3A_55 = arith.constant 0 : i32
      %dma_wait3A_56 = tpu.memref_slice %arg3[%mul3A_2, %dma_wait3A_55] : memref<2048x98xi32, #tpu.memory_space<hbm>> -> memref<64x98xi32, #tpu.memory_space<hbm>>
      tpu.wait_dma2 semaphore(%run_scoped3A : memref<!tpu.dma_semaphore, #tpu.memory_space<semaphore_mem>>) src(%dma_wait3A_56 : memref<64x98xi32, #tpu.memory_space<hbm>>) dst(%arg8 : memref<64x98xi32, #tpu.memory_space<vmem>>)
      tpu.yield
    }) : () -> ()
    %min3A = arith.constant 0 : i32
    %min3A_3 = arith.constant 63 : i32
    %min3A_4 = arith.minsi %min3A, %min3A_3 : i32
    %dma_start3A = arith.constant 0 : i32
    %dma_start3A_5 = tpu.memref_slice %arg7[%min3A_4, %dma_start3A] : memref<64x102xi32, #tpu.memory_space<vmem>> -> memref<1x102xi32, #tpu.memory_space<vmem>>
    %dma_start3A_6 = tpu.memref_squeeze %dma_start3A_5 : memref<1x102xi32, #tpu.memory_space<vmem>> -> memref<102xi32, #tpu.memory_space<vmem>>
    %dma_start3A_7 = arith.constant 0 : i32
    %dma_start3A_8 = arith.constant 0 : i32
    %dma_start3A_9 = tpu.memref_slice %arg4[%dma_start3A_7, %dma_start3A_8] : memref<100000x64xbf16, #tpu.memory_space<hbm>> -> memref<100000x64xbf16, #tpu.memory_space<hbm>>
    tpu.enqueue_indirect_dma source(%dma_start3A_9 : memref<100000x64xbf16, #tpu.memory_space<hbm>>) target(%arg9 : memref<102x64xbf16, #tpu.memory_space<vmem>>) offsets(%dma_start3A_6 : memref<102xi32, #tpu.memory_space<vmem>>) semaphore(%arg15 : memref<!tpu.dma_semaphore, #tpu.memory_space<semaphore_mem>>)
    %dma_start3A_10 = arith.constant 0 : i32
    %dma_start3A_11 = tpu.memref_slice %arg8[%min3A_4, %dma_start3A_10] : memref<64x98xi32, #tpu.memory_space<vmem>> -> memref<1x98xi32, #tpu.memory_space<vmem>>
    %dma_start3A_12 = tpu.memref_squeeze %dma_start3A_11 : memref<1x98xi32, #tpu.memory_space<vmem>> -> memref<98xi32, #tpu.memory_space<vmem>>
    %dma_start3A_13 = arith.constant 0 : i32
    %dma_start3A_14 = arith.constant 0 : i32
    %dma_start3A_15 = tpu.memref_slice %arg5[%dma_start3A_13, %dma_start3A_14] : memref<100000x320xbf16, #tpu.memory_space<hbm>> -> memref<100000x320xbf16, #tpu.memory_space<hbm>>
    tpu.enqueue_indirect_dma source(%dma_start3A_15 : memref<100000x320xbf16, #tpu.memory_space<hbm>>) target(%arg10 : memref<98x320xbf16, #tpu.memory_space<vmem>>) offsets(%dma_start3A_12 : memref<98xi32, #tpu.memory_space<vmem>>) semaphore(%arg16 : memref<!tpu.dma_semaphore, #tpu.memory_space<semaphore_mem>>)
    %scan3A = arith.constant 0 : i32
    %scan3A_16 = arith.constant 32 : i32
    %scan3A_17 = arith.addi %scan3A, %scan3A_16 : i32
    %scan3A_18 = arith.constant 1 : i32
    scf.for %scan3A_49 = %scan3A to %scan3A_17 step %scan3A_18  : i32 {
      %mul3A_50 = arith.constant 2 : i32
      %mul3A_51 = arith.muli %scan3A_49, %mul3A_50 : i32
      %add3A_52 = arith.constant 0 : i32
      %add3A_53 = arith.addi %add3A_52, %mul3A_51 : i32
      %add3A_54 = arith.constant 1 : i32
      %add3A_55 = arith.addi %add3A_53, %add3A_54 : i32
      %min3A_56 = arith.constant 63 : i32
      %min3A_57 = arith.minsi %add3A_55, %min3A_56 : i32
      %dma_start3A_58 = arith.constant 0 : i32
      %dma_start3A_59 = tpu.memref_slice %arg7[%min3A_57, %dma_start3A_58] : memref<64x102xi32, #tpu.memory_space<vmem>> -> memref<1x102xi32, #tpu.memory_space<vmem>>
      %dma_start3A_60 = tpu.memref_squeeze %dma_start3A_59 : memref<1x102xi32, #tpu.memory_space<vmem>> -> memref<102xi32, #tpu.memory_space<vmem>>
      %dma_start3A_61 = arith.constant 0 : i32
      %dma_start3A_62 = arith.constant 0 : i32
      %dma_start3A_63 = tpu.memref_slice %arg4[%dma_start3A_61, %dma_start3A_62] : memref<100000x64xbf16, #tpu.memory_space<hbm>> -> memref<100000x64xbf16, #tpu.memory_space<hbm>>
      tpu.enqueue_indirect_dma source(%dma_start3A_63 : memref<100000x64xbf16, #tpu.memory_space<hbm>>) target(%arg12 : memref<102x64xbf16, #tpu.memory_space<vmem>>) offsets(%dma_start3A_60 : memref<102xi32, #tpu.memory_space<vmem>>) semaphore(%arg18 : memref<!tpu.dma_semaphore, #tpu.memory_space<semaphore_mem>>)
      %dma_start3A_64 = arith.constant 0 : i32
      %dma_start3A_65 = tpu.memref_slice %arg8[%min3A_57, %dma_start3A_64] : memref<64x98xi32, #tpu.memory_space<vmem>> -> memref<1x98xi32, #tpu.memory_space<vmem>>
      %dma_start3A_66 = tpu.memref_squeeze %dma_start3A_65 : memref<1x98xi32, #tpu.memory_space<vmem>> -> memref<98xi32, #tpu.memory_space<vmem>>
      %dma_start3A_67 = arith.constant 0 : i32
      %dma_start3A_68 = arith.constant 0 : i32
      %dma_start3A_69 = tpu.memref_slice %arg5[%dma_start3A_67, %dma_start3A_68] : memref<100000x320xbf16, #tpu.memory_space<hbm>> -> memref<100000x320xbf16, #tpu.memory_space<hbm>>
      tpu.enqueue_indirect_dma source(%dma_start3A_69 : memref<100000x320xbf16, #tpu.memory_space<hbm>>) target(%arg13 : memref<98x320xbf16, #tpu.memory_space<vmem>>) offsets(%dma_start3A_66 : memref<98xi32, #tpu.memory_space<vmem>>) semaphore(%arg19 : memref<!tpu.dma_semaphore, #tpu.memory_space<semaphore_mem>>)
      %dma_wait3A_70 = arith.constant 0 : i32
      %dma_wait3A_71 = arith.constant 0 : i32
      %dma_wait3A_72 = tpu.memref_slice %arg7[%dma_wait3A_70, %dma_wait3A_71] : memref<64x102xi32, #tpu.memory_space<vmem>> -> memref<1x102xi32, #tpu.memory_space<vmem>>
      %dma_wait3A_73 = tpu.memref_squeeze %dma_wait3A_72 : memref<1x102xi32, #tpu.memory_space<vmem>> -> memref<102xi32, #tpu.memory_space<vmem>>
      %dma_wait3A_74 = arith.constant 0 : i32
      %dma_wait3A_75 = arith.constant 0 : i32
      %dma_wait3A_76 = tpu.memref_slice %arg4[%dma_wait3A_74, %dma_wait3A_75] : memref<100000x64xbf16, #tpu.memory_space<hbm>> -> memref<100000x64xbf16, #tpu.memory_space<hbm>>
      tpu.wait_indirect_dma semaphore(%arg15 : memref<!tpu.dma_semaphore, #tpu.memory_space<semaphore_mem>>) src(%dma_wait3A_76 : memref<100000x64xbf16, #tpu.memory_space<hbm>>) dst(%arg9 : memref<102x64xbf16, #tpu.memory_space<vmem>>)
      %dma_wait3A_77 = arith.constant 0 : i32
      %dma_wait3A_78 = arith.constant 0 : i32
      %dma_wait3A_79 = tpu.memref_slice %arg8[%dma_wait3A_77, %dma_wait3A_78] : memref<64x98xi32, #tpu.memory_space<vmem>> -> memref<1x98xi32, #tpu.memory_space<vmem>>
      %dma_wait3A_80 = tpu.memref_squeeze %dma_wait3A_79 : memref<1x98xi32, #tpu.memory_space<vmem>> -> memref<98xi32, #tpu.memory_space<vmem>>
      %dma_wait3A_81 = arith.constant 0 : i32
      %dma_wait3A_82 = arith.constant 0 : i32
      %dma_wait3A_83 = tpu.memref_slice %arg5[%dma_wait3A_81, %dma_wait3A_82] : memref<100000x320xbf16, #tpu.memory_space<hbm>> -> memref<100000x320xbf16, #tpu.memory_space<hbm>>
      tpu.wait_indirect_dma semaphore(%arg16 : memref<!tpu.dma_semaphore, #tpu.memory_space<semaphore_mem>>) src(%dma_wait3A_83 : memref<100000x320xbf16, #tpu.memory_space<hbm>>) dst(%arg10 : memref<98x320xbf16, #tpu.memory_space<vmem>>)
      %gt3A = arith.constant 0 : i32
      %gt3A_84 = arith.cmpi sgt, %add3A_53, %gt3A : i32
      %convert_element_type3A = arith.extui %gt3A_84 : i1 to i32
      %cond3A = arith.constant 0 : i32
      %cond3A_85 = arith.cmpi ne, %convert_element_type3A, %cond3A : i32
      scf.if %cond3A_85 {
        %dma_wait3A_151 = arith.constant 0 : i32
        %dma_wait3A_152 = arith.constant 0 : i32
        %dma_wait3A_153 = tpu.memref_slice %arg6[%mul3A_2, %dma_wait3A_151, %dma_wait3A_152] : memref<2048x98x64xbf16, #tpu.memory_space<hbm>> -> memref<1x98x64xbf16, #tpu.memory_space<hbm>>
        %dma_wait3A_154 = tpu.memref_squeeze %dma_wait3A_153 : memref<1x98x64xbf16, #tpu.memory_space<hbm>> -> memref<98x64xbf16, #tpu.memory_space<hbm>>
        %dma_wait3A_155 = arith.constant 0 : i32
        %dma_wait3A_156 = arith.constant 0 : i32
        %dma_wait3A_157 = tpu.memref_slice %arg6[%mul3A_2, %dma_wait3A_155, %dma_wait3A_156] : memref<2048x98x64xbf16, #tpu.memory_space<hbm>> -> memref<1x98x64xbf16, #tpu.memory_space<hbm>>
        %dma_wait3A_158 = tpu.memref_squeeze %dma_wait3A_157 : memref<1x98x64xbf16, #tpu.memory_space<hbm>> -> memref<98x64xbf16, #tpu.memory_space<hbm>>
        tpu.wait_dma2 semaphore(%arg17 : memref<!tpu.dma_semaphore, #tpu.memory_space<semaphore_mem>>) src(%arg11 : memref<98x64xbf16, #tpu.memory_space<vmem>>) dst(%dma_wait3A_158 : memref<98x64xbf16, #tpu.memory_space<hbm>>)
      } else {
      }
      %scan3A_86 = arith.constant 0 : i32
      %scan3A_87 = arith.constant 98 : i32
      %scan3A_88 = arith.addi %scan3A_86, %scan3A_87 : i32
      %scan3A_89 = arith.constant 1 : i32
      scf.for %scan3A_151 = %scan3A_86 to %scan3A_88 step %scan3A_89  : i32 {
        %mul3A_152 = arith.constant 1 : i32
        %mul3A_153 = arith.muli %scan3A_151, %mul3A_152 : i32
        %add3A_154 = arith.constant 0 : i32
        %add3A_155 = arith.addi %add3A_154, %mul3A_153 : i32
        %add3A_156 = arith.constant 0 : i32
        %add3A_157 = arith.addi %add3A_155, %add3A_156 : i32
        %get3A = arith.index_cast %add3A_157 : i32 to index
        %get3A_158 = arith.constant 0 : index
        %get3A_159 = tpu.vector_load %arg9[%get3A, %get3A_158] {strides = array<i32>} : memref<102x64xbf16, #tpu.memory_space<vmem>>, vector<1x32xbf16>,
        %get3A_160 = vector.shape_cast %get3A_159 : vector<1x32xbf16> to vector<32xbf16>
        %get3A_161 = arith.index_cast %add3A_155 : i32 to index
        %get3A_162 = arith.constant 0 : index
        %get3A_163 = tpu.vector_load %arg10[%get3A_161, %get3A_162] {strides = array<i32>} : memref<98x320xbf16, #tpu.memory_space<vmem>>, vector<1x32xbf16>,
        %get3A_164 = vector.shape_cast %get3A_163 : vector<1x32xbf16> to vector<32xbf16>
        %mul3A_165 = arith.mulf %get3A_160, %get3A_164 : vector<32xbf16>
        %add3A_166 = arith.constant 1 : i32
        %add3A_167 = arith.addi %add3A_155, %add3A_166 : i32
        %get3A_168 = arith.index_cast %add3A_167 : i32 to index
        %get3A_169 = arith.constant 0 : index
        %get3A_170 = tpu.vector_load %arg9[%get3A_168, %get3A_169] {strides = array<i32>} : memref<102x64xbf16, #tpu.memory_space<vmem>>, vector<1x32xbf16>,
        %get3A_171 = vector.shape_cast %get3A_170 : vector<1x32xbf16> to vector<32xbf16>
        %get3A_172 = arith.index_cast %add3A_155 : i32 to index
        %get3A_173 = arith.constant 64 : index
        %get3A_174 = tpu.vector_load %arg10[%get3A_172, %get3A_173] {strides = array<i32>} : memref<98x320xbf16, #tpu.memory_space<vmem>>, vector<1x32xbf16>,
        %get3A_175 = vector.shape_cast %get3A_174 : vector<1x32xbf16> to vector<32xbf16>
        %mul3A_176 = arith.mulf %get3A_171, %get3A_175 : vector<32xbf16>
        %max3A = arith.maximumf %mul3A_165, %mul3A_176 : vector<32xbf16>
        %add3A_177 = arith.constant 2 : i32
        %add3A_178 = arith.addi %add3A_155, %add3A_177 : i32
        %get3A_179 = arith.index_cast %add3A_178 : i32 to index
        %get3A_180 = arith.constant 0 : index
        %get3A_181 = tpu.vector_load %arg9[%get3A_179, %get3A_180] {strides = array<i32>} : memref<102x64xbf16, #tpu.memory_space<vmem>>, vector<1x32xbf16>,
        %get3A_182 = vector.shape_cast %get3A_181 : vector<1x32xbf16> to vector<32xbf16>
        %get3A_183 = arith.index_cast %add3A_155 : i32 to index
        %get3A_184 = arith.constant 128 : index
        %get3A_185 = tpu.vector_load %arg10[%get3A_183, %get3A_184] {strides = array<i32>} : memref<98x320xbf16, #tpu.memory_space<vmem>>, vector<1x32xbf16>,
        %get3A_186 = vector.shape_cast %get3A_185 : vector<1x32xbf16> to vector<32xbf16>
        %mul3A_187 = arith.mulf %get3A_182, %get3A_186 : vector<32xbf16>
        %max3A_188 = arith.maximumf %max3A, %mul3A_187 : vector<32xbf16>
        %add3A_189 = arith.constant 3 : i32
        %add3A_190 = arith.addi %add3A_155, %add3A_189 : i32
        %get3A_191 = arith.index_cast %add3A_190 : i32 to index
        %get3A_192 = arith.constant 0 : index
        %get3A_193 = tpu.vector_load %arg9[%get3A_191, %get3A_192] {strides = array<i32>} : memref<102x64xbf16, #tpu.memory_space<vmem>>, vector<1x32xbf16>,
        %get3A_194 = vector.shape_cast %get3A_193 : vector<1x32xbf16> to vector<32xbf16>
        %get3A_195 = arith.index_cast %add3A_155 : i32 to index
        %get3A_196 = arith.constant 192 : index
        %get3A_197 = tpu.vector_load %arg10[%get3A_195, %get3A_196] {strides = array<i32>} : memref<98x320xbf16, #tpu.memory_space<vmem>>, vector<1x32xbf16>,
        %get3A_198 = vector.shape_cast %get3A_197 : vector<1x32xbf16> to vector<32xbf16>
        %mul3A_199 = arith.mulf %get3A_194, %get3A_198 : vector<32xbf16>
        %max3A_200 = arith.maximumf %max3A_188, %mul3A_199 : vector<32xbf16>
        %add3A_201 = arith.constant 4 : i32
        %add3A_202 = arith.addi %add3A_155, %add3A_201 : i32
        %get3A_203 = arith.index_cast %add3A_202 : i32 to index
        %get3A_204 = arith.constant 0 : index
        %get3A_205 = tpu.vector_load %arg9[%get3A_203, %get3A_204] {strides = array<i32>} : memref<102x64xbf16, #tpu.memory_space<vmem>>, vector<1x32xbf16>,
        %get3A_206 = vector.shape_cast %get3A_205 : vector<1x32xbf16> to vector<32xbf16>
        %get3A_207 = arith.index_cast %add3A_155 : i32 to index
        %get3A_208 = arith.constant 256 : index
        %get3A_209 = tpu.vector_load %arg10[%get3A_207, %get3A_208] {strides = array<i32>} : memref<98x320xbf16, #tpu.memory_space<vmem>>, vector<1x32xbf16>,
        %get3A_210 = vector.shape_cast %get3A_209 : vector<1x32xbf16> to vector<32xbf16>
        %mul3A_211 = arith.mulf %get3A_206, %get3A_210 : vector<32xbf16>
        %max3A_212 = arith.maximumf %max3A_200, %mul3A_211 : vector<32xbf16>
        %swap3A = arith.index_cast %add3A_155 : i32 to index
        %swap3A_213 = arith.constant 0 : index
        %swap3A_214 = tpu.vector_load %arg11[%swap3A, %swap3A_213] {strides = array<i32>} : memref<98x64xbf16, #tpu.memory_space<vmem>>, vector<1x32xbf16>,
        %swap3A_215 = vector.shape_cast %swap3A_214 : vector<1x32xbf16> to vector<32xbf16>
        %swap3A_216 = vector.shape_cast %max3A_212 : vector<32xbf16> to vector<1x32xbf16>
        tpu.vector_store %arg11[%swap3A, %swap3A_213], %swap3A_216 {strides = array<i32>} : memref<98x64xbf16, #tpu.memory_space<vmem>>, vector<1x32xbf16>,
        %add3A_217 = arith.constant 0 : i32
        %add3A_218 = arith.addi %add3A_155, %add3A_217 : i32
        %get3A_219 = arith.index_cast %add3A_218 : i32 to index
        %get3A_220 = arith.constant 32 : index
        %get3A_221 = tpu.vector_load %arg9[%get3A_219, %get3A_220] {strides = array<i32>} : memref<102x64xbf16, #tpu.memory_space<vmem>>, vector<1x32xbf16>,
        %get3A_222 = vector.shape_cast %get3A_221 : vector<1x32xbf16> to vector<32xbf16>
        %get3A_223 = arith.index_cast %add3A_155 : i32 to index
        %get3A_224 = arith.constant 32 : index
        %get3A_225 = tpu.vector_load %arg10[%get3A_223, %get3A_224] {strides = array<i32>} : memref<98x320xbf16, #tpu.memory_space<vmem>>, vector<1x32xbf16>,
        %get3A_226 = vector.shape_cast %get3A_225 : vector<1x32xbf16> to vector<32xbf16>
        %mul3A_227 = arith.mulf %get3A_222, %get3A_226 : vector<32xbf16>
        %add3A_228 = arith.constant 1 : i32
        %add3A_229 = arith.addi %add3A_155, %add3A_228 : i32
        %get3A_230 = arith.index_cast %add3A_229 : i32 to index
        %get3A_231 = arith.constant 32 : index
        %get3A_232 = tpu.vector_load %arg9[%get3A_230, %get3A_231] {strides = array<i32>} : memref<102x64xbf16, #tpu.memory_space<vmem>>, vector<1x32xbf16>,
        %get3A_233 = vector.shape_cast %get3A_232 : vector<1x32xbf16> to vector<32xbf16>
        %get3A_234 = arith.index_cast %add3A_155 : i32 to index
        %get3A_235 = arith.constant 96 : index
        %get3A_236 = tpu.vector_load %arg10[%get3A_234, %get3A_235] {strides = array<i32>} : memref<98x320xbf16, #tpu.memory_space<vmem>>, vector<1x32xbf16>,
        %get3A_237 = vector.shape_cast %get3A_236 : vector<1x32xbf16> to vector<32xbf16>
        %mul3A_238 = arith.mulf %get3A_233, %get3A_237 : vector<32xbf16>
        %max3A_239 = arith.maximumf %mul3A_227, %mul3A_238 : vector<32xbf16>
        %add3A_240 = arith.constant 2 : i32
        %add3A_241 = arith.addi %add3A_155, %add3A_240 : i32
        %get3A_242 = arith.index_cast %add3A_241 : i32 to index
        %get3A_243 = arith.constant 32 : index
        %get3A_244 = tpu.vector_load %arg9[%get3A_242, %get3A_243] {strides = array<i32>} : memref<102x64xbf16, #tpu.memory_space<vmem>>, vector<1x32xbf16>,
        %get3A_245 = vector.shape_cast %get3A_244 : vector<1x32xbf16> to vector<32xbf16>
        %get3A_246 = arith.index_cast %add3A_155 : i32 to index
        %get3A_247 = arith.constant 160 : index
        %get3A_248 = tpu.vector_load %arg10[%get3A_246, %get3A_247] {strides = array<i32>} : memref<98x320xbf16, #tpu.memory_space<vmem>>, vector<1x32xbf16>,
        %get3A_249 = vector.shape_cast %get3A_248 : vector<1x32xbf16> to vector<32xbf16>
        %mul3A_250 = arith.mulf %get3A_245, %get3A_249 : vector<32xbf16>
        %max3A_251 = arith.maximumf %max3A_239, %mul3A_250 : vector<32xbf16>
        %add3A_252 = arith.constant 3 : i32
        %add3A_253 = arith.addi %add3A_155, %add3A_252 : i32
        %get3A_254 = arith.index_cast %add3A_253 : i32 to index
        %get3A_255 = arith.constant 32 : index
        %get3A_256 = tpu.vector_load %arg9[%get3A_254, %get3A_255] {strides = array<i32>} : memref<102x64xbf16, #tpu.memory_space<vmem>>, vector<1x32xbf16>,
        %get3A_257 = vector.shape_cast %get3A_256 : vector<1x32xbf16> to vector<32xbf16>
        %get3A_258 = arith.index_cast %add3A_155 : i32 to index
        %get3A_259 = arith.constant 224 : index
        %get3A_260 = tpu.vector_load %arg10[%get3A_258, %get3A_259] {strides = array<i32>} : memref<98x320xbf16, #tpu.memory_space<vmem>>, vector<1x32xbf16>,
        %get3A_261 = vector.shape_cast %get3A_260 : vector<1x32xbf16> to vector<32xbf16>
        %mul3A_262 = arith.mulf %get3A_257, %get3A_261 : vector<32xbf16>
        %max3A_263 = arith.maximumf %max3A_251, %mul3A_262 : vector<32xbf16>
        %add3A_264 = arith.constant 4 : i32
        %add3A_265 = arith.addi %add3A_155, %add3A_264 : i32
        %get3A_266 = arith.index_cast %add3A_265 : i32 to index
        %get3A_267 = arith.constant 32 : index
        %get3A_268 = tpu.vector_load %arg9[%get3A_266, %get3A_267] {strides = array<i32>} : memref<102x64xbf16, #tpu.memory_space<vmem>>, vector<1x32xbf16>,
        %get3A_269 = vector.shape_cast %get3A_268 : vector<1x32xbf16> to vector<32xbf16>
        %get3A_270 = arith.index_cast %add3A_155 : i32 to index
        %get3A_271 = arith.constant 288 : index
        %get3A_272 = tpu.vector_load %arg10[%get3A_270, %get3A_271] {strides = array<i32>} : memref<98x320xbf16, #tpu.memory_space<vmem>>, vector<1x32xbf16>,
        %get3A_273 = vector.shape_cast %get3A_272 : vector<1x32xbf16> to vector<32xbf16>
        %mul3A_274 = arith.mulf %get3A_269, %get3A_273 : vector<32xbf16>
        %max3A_275 = arith.maximumf %max3A_263, %mul3A_274 : vector<32xbf16>
        %swap3A_276 = arith.index_cast %add3A_155 : i32 to index
        %swap3A_277 = arith.constant 32 : index
        %swap3A_278 = tpu.vector_load %arg11[%swap3A_276, %swap3A_277] {strides = array<i32>} : memref<98x64xbf16, #tpu.memory_space<vmem>>, vector<1x32xbf16>,
        %swap3A_279 = vector.shape_cast %swap3A_278 : vector<1x32xbf16> to vector<32xbf16>
        %swap3A_280 = vector.shape_cast %max3A_275 : vector<32xbf16> to vector<1x32xbf16>
        tpu.vector_store %arg11[%swap3A_276, %swap3A_277], %swap3A_280 {strides = array<i32>} : memref<98x64xbf16, #tpu.memory_space<vmem>>, vector<1x32xbf16>,
      }
      %scan3A_90 = arith.constant 98 : i32
      %add3A_91 = arith.addi %mul3A_2, %add3A_53 : i32
      %dma_start3A_92 = arith.constant 0 : i32
      %dma_start3A_93 = arith.constant 0 : i32
      %dma_start3A_94 = tpu.memref_slice %arg6[%add3A_91, %dma_start3A_92, %dma_start3A_93] : memref<2048x98x64xbf16, #tpu.memory_space<hbm>> -> memref<1x98x64xbf16, #tpu.memory_space<hbm>>
      %dma_start3A_95 = tpu.memref_squeeze %dma_start3A_94 : memref<1x98x64xbf16, #tpu.memory_space<hbm>> -> memref<98x64xbf16, #tpu.memory_space<hbm>>
      %dma_start3A_96 = arith.constant 0 : i32
      %dma_start3A_97 = arith.constant 0 : i32
      %dma_start3A_98 = tpu.memref_slice %arg6[%add3A_91, %dma_start3A_96, %dma_start3A_97] : memref<2048x98x64xbf16, #tpu.memory_space<hbm>> -> memref<1x98x64xbf16, #tpu.memory_space<hbm>>
      %dma_start3A_99 = tpu.memref_squeeze %dma_start3A_98 : memref<1x98x64xbf16, #tpu.memory_space<hbm>> -> memref<98x64xbf16, #tpu.memory_space<hbm>>
      tpu.enqueue_dma source(%arg11 : memref<98x64xbf16, #tpu.memory_space<vmem>>) target(%dma_start3A_99 : memref<98x64xbf16, #tpu.memory_space<hbm>>) target_semaphore(%arg17 : memref<!tpu.dma_semaphore, #tpu.memory_space<semaphore_mem>>)
      %add3A_100 = arith.constant 2 : i32
      %add3A_101 = arith.addi %add3A_53, %add3A_100 : i32
      %min3A_102 = arith.constant 63 : i32
      %min3A_103 = arith.minsi %add3A_101, %min3A_102 : i32
      %dma_start3A_104 = arith.constant 0 : i32
      %dma_start3A_105 = tpu.memref_slice %arg7[%min3A_103, %dma_start3A_104] : memref<64x102xi32, #tpu.memory_space<vmem>> -> memref<1x102xi32, #tpu.memory_space<vmem>>
      %dma_start3A_106 = tpu.memref_squeeze %dma_start3A_105 : memref<1x102xi32, #tpu.memory_space<vmem>> -> memref<102xi32, #tpu.memory_space<vmem>>
      %dma_start3A_107 = arith.constant 0 : i32
      %dma_start3A_108 = arith.constant 0 : i32
      %dma_start3A_109 = tpu.memref_slice %arg4[%dma_start3A_107, %dma_start3A_108] : memref<100000x64xbf16, #tpu.memory_space<hbm>> -> memref<100000x64xbf16, #tpu.memory_space<hbm>>
      tpu.enqueue_indirect_dma source(%dma_start3A_109 : memref<100000x64xbf16, #tpu.memory_space<hbm>>) target(%arg9 : memref<102x64xbf16, #tpu.memory_space<vmem>>) offsets(%dma_start3A_106 : memref<102xi32, #tpu.memory_space<vmem>>) semaphore(%arg15 : memref<!tpu.dma_semaphore, #tpu.memory_space<semaphore_mem>>)
      %dma_start3A_110 = arith.constant 0 : i32
      %dma_start3A_111 = tpu.memref_slice %arg8[%min3A_103, %dma_start3A_110] : memref<64x98xi32, #tpu.memory_space<vmem>> -> memref<1x98xi32, #tpu.memory_space<vmem>>
      %dma_start3A_112 = tpu.memref_squeeze %dma_start3A_111 : memref<1x98xi32, #tpu.memory_space<vmem>> -> memref<98xi32, #tpu.memory_space<vmem>>
      %dma_start3A_113 = arith.constant 0 : i32
      %dma_start3A_114 = arith.constant 0 : i32
      %dma_start3A_115 = tpu.memref_slice %arg5[%dma_start3A_113, %dma_start3A_114] : memref<100000x320xbf16, #tpu.memory_space<hbm>> -> memref<100000x320xbf16, #tpu.memory_space<hbm>>
      tpu.enqueue_indirect_dma source(%dma_start3A_115 : memref<100000x320xbf16, #tpu.memory_space<hbm>>) target(%arg10 : memref<98x320xbf16, #tpu.memory_space<vmem>>) offsets(%dma_start3A_112 : memref<98xi32, #tpu.memory_space<vmem>>) semaphore(%arg16 : memref<!tpu.dma_semaphore, #tpu.memory_space<semaphore_mem>>)
      %dma_wait3A_116 = arith.constant 0 : i32
      %dma_wait3A_117 = arith.constant 0 : i32
      %dma_wait3A_118 = tpu.memref_slice %arg7[%dma_wait3A_116, %dma_wait3A_117] : memref<64x102xi32, #tpu.memory_space<vmem>> -> memref<1x102xi32, #tpu.memory_space<vmem>>
      %dma_wait3A_119 = tpu.memref_squeeze %dma_wait3A_118 : memref<1x102xi32, #tpu.memory_space<vmem>> -> memref<102xi32, #tpu.memory_space<vmem>>
      %dma_wait3A_120 = arith.constant 0 : i32
      %dma_wait3A_121 = arith.constant 0 : i32
      %dma_wait3A_122 = tpu.memref_slice %arg4[%dma_wait3A_120, %dma_wait3A_121] : memref<100000x64xbf16, #tpu.memory_space<hbm>> -> memref<100000x64xbf16, #tpu.memory_space<hbm>>
      tpu.wait_indirect_dma semaphore(%arg18 : memref<!tpu.dma_semaphore, #tpu.memory_space<semaphore_mem>>) src(%dma_wait3A_122 : memref<100000x64xbf16, #tpu.memory_space<hbm>>) dst(%arg12 : memref<102x64xbf16, #tpu.memory_space<vmem>>)
      %dma_wait3A_123 = arith.constant 0 : i32
      %dma_wait3A_124 = arith.constant 0 : i32
      %dma_wait3A_125 = tpu.memref_slice %arg8[%dma_wait3A_123, %dma_wait3A_124] : memref<64x98xi32, #tpu.memory_space<vmem>> -> memref<1x98xi32, #tpu.memory_space<vmem>>
      %dma_wait3A_126 = tpu.memref_squeeze %dma_wait3A_125 : memref<1x98xi32, #tpu.memory_space<vmem>> -> memref<98xi32, #tpu.memory_space<vmem>>
      %dma_wait3A_127 = arith.constant 0 : i32
      %dma_wait3A_128 = arith.constant 0 : i32
      %dma_wait3A_129 = tpu.memref_slice %arg5[%dma_wait3A_127, %dma_wait3A_128] : memref<100000x320xbf16, #tpu.memory_space<hbm>> -> memref<100000x320xbf16, #tpu.memory_space<hbm>>
      tpu.wait_indirect_dma semaphore(%arg19 : memref<!tpu.dma_semaphore, #tpu.memory_space<semaphore_mem>>) src(%dma_wait3A_129 : memref<100000x320xbf16, #tpu.memory_space<hbm>>) dst(%arg13 : memref<98x320xbf16, #tpu.memory_space<vmem>>)
      %gt3A_130 = arith.constant 0 : i32
      %gt3A_131 = arith.cmpi sgt, %add3A_53, %gt3A_130 : i32
      %convert_element_type3A_132 = arith.extui %gt3A_131 : i1 to i32
      %cond3A_133 = arith.constant 0 : i32
      %cond3A_134 = arith.cmpi ne, %convert_element_type3A_132, %cond3A_133 : i32
      scf.if %cond3A_134 {
        %dma_wait3A_151 = arith.constant 0 : i32
        %dma_wait3A_152 = arith.constant 0 : i32
        %dma_wait3A_153 = tpu.memref_slice %arg6[%mul3A_2, %dma_wait3A_151, %dma_wait3A_152] : memref<2048x98x64xbf16, #tpu.memory_space<hbm>> -> memref<1x98x64xbf16, #tpu.memory_space<hbm>>
        %dma_wait3A_154 = tpu.memref_squeeze %dma_wait3A_153 : memref<1x98x64xbf16, #tpu.memory_space<hbm>> -> memref<98x64xbf16, #tpu.memory_space<hbm>>
        %dma_wait3A_155 = arith.constant 0 : i32
        %dma_wait3A_156 = arith.constant 0 : i32
        %dma_wait3A_157 = tpu.memref_slice %arg6[%mul3A_2, %dma_wait3A_155, %dma_wait3A_156] : memref<2048x98x64xbf16, #tpu.memory_space<hbm>> -> memref<1x98x64xbf16, #tpu.memory_space<hbm>>
        %dma_wait3A_158 = tpu.memref_squeeze %dma_wait3A_157 : memref<1x98x64xbf16, #tpu.memory_space<hbm>> -> memref<98x64xbf16, #tpu.memory_space<hbm>>
        tpu.wait_dma2 semaphore(%arg20 : memref<!tpu.dma_semaphore, #tpu.memory_space<semaphore_mem>>) src(%arg14 : memref<98x64xbf16, #tpu.memory_space<vmem>>) dst(%dma_wait3A_158 : memref<98x64xbf16, #tpu.memory_space<hbm>>)
      } else {
      }
      %scan3A_135 = arith.constant 0 : i32
      %scan3A_136 = arith.constant 98 : i32
      %scan3A_137 = arith.addi %scan3A_135, %scan3A_136 : i32
      %scan3A_138 = arith.constant 1 : i32
      scf.for %scan3A_151 = %scan3A_135 to %scan3A_137 step %scan3A_138  : i32 {
        %mul3A_152 = arith.constant 1 : i32
        %mul3A_153 = arith.muli %scan3A_151, %mul3A_152 : i32
        %add3A_154 = arith.constant 0 : i32
        %add3A_155 = arith.addi %add3A_154, %mul3A_153 : i32
        %add3A_156 = arith.constant 0 : i32
        %add3A_157 = arith.addi %add3A_155, %add3A_156 : i32
        %get3A = arith.index_cast %add3A_157 : i32 to index
        %get3A_158 = arith.constant 0 : index
        %get3A_159 = tpu.vector_load %arg12[%get3A, %get3A_158] {strides = array<i32>} : memref<102x64xbf16, #tpu.memory_space<vmem>>, vector<1x32xbf16>,
        %get3A_160 = vector.shape_cast %get3A_159 : vector<1x32xbf16> to vector<32xbf16>
        %get3A_161 = arith.index_cast %add3A_155 : i32 to index
        %get3A_162 = arith.constant 0 : index
        %get3A_163 = tpu.vector_load %arg13[%get3A_161, %get3A_162] {strides = array<i32>} : memref<98x320xbf16, #tpu.memory_space<vmem>>, vector<1x32xbf16>,
        %get3A_164 = vector.shape_cast %get3A_163 : vector<1x32xbf16> to vector<32xbf16>
        %mul3A_165 = arith.mulf %get3A_160, %get3A_164 : vector<32xbf16>
        %add3A_166 = arith.constant 1 : i32
        %add3A_167 = arith.addi %add3A_155, %add3A_166 : i32
        %get3A_168 = arith.index_cast %add3A_167 : i32 to index
        %get3A_169 = arith.constant 0 : index
        %get3A_170 = tpu.vector_load %arg12[%get3A_168, %get3A_169] {strides = array<i32>} : memref<102x64xbf16, #tpu.memory_space<vmem>>, vector<1x32xbf16>,
        %get3A_171 = vector.shape_cast %get3A_170 : vector<1x32xbf16> to vector<32xbf16>
        %get3A_172 = arith.index_cast %add3A_155 : i32 to index
        %get3A_173 = arith.constant 64 : index
        %get3A_174 = tpu.vector_load %arg13[%get3A_172, %get3A_173] {strides = array<i32>} : memref<98x320xbf16, #tpu.memory_space<vmem>>, vector<1x32xbf16>,
        %get3A_175 = vector.shape_cast %get3A_174 : vector<1x32xbf16> to vector<32xbf16>
        %mul3A_176 = arith.mulf %get3A_171, %get3A_175 : vector<32xbf16>
        %max3A = arith.maximumf %mul3A_165, %mul3A_176 : vector<32xbf16>
        %add3A_177 = arith.constant 2 : i32
        %add3A_178 = arith.addi %add3A_155, %add3A_177 : i32
        %get3A_179 = arith.index_cast %add3A_178 : i32 to index
        %get3A_180 = arith.constant 0 : index
        %get3A_181 = tpu.vector_load %arg12[%get3A_179, %get3A_180] {strides = array<i32>} : memref<102x64xbf16, #tpu.memory_space<vmem>>, vector<1x32xbf16>,
        %get3A_182 = vector.shape_cast %get3A_181 : vector<1x32xbf16> to vector<32xbf16>
        %get3A_183 = arith.index_cast %add3A_155 : i32 to index
        %get3A_184 = arith.constant 128 : index
        %get3A_185 = tpu.vector_load %arg13[%get3A_183, %get3A_184] {strides = array<i32>} : memref<98x320xbf16, #tpu.memory_space<vmem>>, vector<1x32xbf16>,
        %get3A_186 = vector.shape_cast %get3A_185 : vector<1x32xbf16> to vector<32xbf16>
        %mul3A_187 = arith.mulf %get3A_182, %get3A_186 : vector<32xbf16>
        %max3A_188 = arith.maximumf %max3A, %mul3A_187 : vector<32xbf16>
        %add3A_189 = arith.constant 3 : i32
        %add3A_190 = arith.addi %add3A_155, %add3A_189 : i32
        %get3A_191 = arith.index_cast %add3A_190 : i32 to index
        %get3A_192 = arith.constant 0 : index
        %get3A_193 = tpu.vector_load %arg12[%get3A_191, %get3A_192] {strides = array<i32>} : memref<102x64xbf16, #tpu.memory_space<vmem>>, vector<1x32xbf16>,
        %get3A_194 = vector.shape_cast %get3A_193 : vector<1x32xbf16> to vector<32xbf16>
        %get3A_195 = arith.index_cast %add3A_155 : i32 to index
        %get3A_196 = arith.constant 192 : index
        %get3A_197 = tpu.vector_load %arg13[%get3A_195, %get3A_196] {strides = array<i32>} : memref<98x320xbf16, #tpu.memory_space<vmem>>, vector<1x32xbf16>,
        %get3A_198 = vector.shape_cast %get3A_197 : vector<1x32xbf16> to vector<32xbf16>
        %mul3A_199 = arith.mulf %get3A_194, %get3A_198 : vector<32xbf16>
        %max3A_200 = arith.maximumf %max3A_188, %mul3A_199 : vector<32xbf16>
        %add3A_201 = arith.constant 4 : i32
        %add3A_202 = arith.addi %add3A_155, %add3A_201 : i32
        %get3A_203 = arith.index_cast %add3A_202 : i32 to index
        %get3A_204 = arith.constant 0 : index
        %get3A_205 = tpu.vector_load %arg12[%get3A_203, %get3A_204] {strides = array<i32>} : memref<102x64xbf16, #tpu.memory_space<vmem>>, vector<1x32xbf16>,
        %get3A_206 = vector.shape_cast %get3A_205 : vector<1x32xbf16> to vector<32xbf16>
        %get3A_207 = arith.index_cast %add3A_155 : i32 to index
        %get3A_208 = arith.constant 256 : index
        %get3A_209 = tpu.vector_load %arg13[%get3A_207, %get3A_208] {strides = array<i32>} : memref<98x320xbf16, #tpu.memory_space<vmem>>, vector<1x32xbf16>,
        %get3A_210 = vector.shape_cast %get3A_209 : vector<1x32xbf16> to vector<32xbf16>
        %mul3A_211 = arith.mulf %get3A_206, %get3A_210 : vector<32xbf16>
        %max3A_212 = arith.maximumf %max3A_200, %mul3A_211 : vector<32xbf16>
        %swap3A = arith.index_cast %add3A_155 : i32 to index
        %swap3A_213 = arith.constant 0 : index
        %swap3A_214 = tpu.vector_load %arg14[%swap3A, %swap3A_213] {strides = array<i32>} : memref<98x64xbf16, #tpu.memory_space<vmem>>, vector<1x32xbf16>,
        %swap3A_215 = vector.shape_cast %swap3A_214 : vector<1x32xbf16> to vector<32xbf16>
        %swap3A_216 = vector.shape_cast %max3A_212 : vector<32xbf16> to vector<1x32xbf16>
        tpu.vector_store %arg14[%swap3A, %swap3A_213], %swap3A_216 {strides = array<i32>} : memref<98x64xbf16, #tpu.memory_space<vmem>>, vector<1x32xbf16>,
        %add3A_217 = arith.constant 0 : i32
        %add3A_218 = arith.addi %add3A_155, %add3A_217 : i32
        %get3A_219 = arith.index_cast %add3A_218 : i32 to index
        %get3A_220 = arith.constant 32 : index
        %get3A_221 = tpu.vector_load %arg12[%get3A_219, %get3A_220] {strides = array<i32>} : memref<102x64xbf16, #tpu.memory_space<vmem>>, vector<1x32xbf16>,
        %get3A_222 = vector.shape_cast %get3A_221 : vector<1x32xbf16> to vector<32xbf16>
        %get3A_223 = arith.index_cast %add3A_155 : i32 to index
        %get3A_224 = arith.constant 32 : index
        %get3A_225 = tpu.vector_load %arg13[%get3A_223, %get3A_224] {strides = array<i32>} : memref<98x320xbf16, #tpu.memory_space<vmem>>, vector<1x32xbf16>,
        %get3A_226 = vector.shape_cast %get3A_225 : vector<1x32xbf16> to vector<32xbf16>
        %mul3A_227 = arith.mulf %get3A_222, %get3A_226 : vector<32xbf16>
        %add3A_228 = arith.constant 1 : i32
        %add3A_229 = arith.addi %add3A_155, %add3A_228 : i32
        %get3A_230 = arith.index_cast %add3A_229 : i32 to index
        %get3A_231 = arith.constant 32 : index
        %get3A_232 = tpu.vector_load %arg12[%get3A_230, %get3A_231] {strides = array<i32>} : memref<102x64xbf16, #tpu.memory_space<vmem>>, vector<1x32xbf16>,
        %get3A_233 = vector.shape_cast %get3A_232 : vector<1x32xbf16> to vector<32xbf16>
        %get3A_234 = arith.index_cast %add3A_155 : i32 to index
        %get3A_235 = arith.constant 96 : index
        %get3A_236 = tpu.vector_load %arg13[%get3A_234, %get3A_235] {strides = array<i32>} : memref<98x320xbf16, #tpu.memory_space<vmem>>, vector<1x32xbf16>,
        %get3A_237 = vector.shape_cast %get3A_236 : vector<1x32xbf16> to vector<32xbf16>
        %mul3A_238 = arith.mulf %get3A_233, %get3A_237 : vector<32xbf16>
        %max3A_239 = arith.maximumf %mul3A_227, %mul3A_238 : vector<32xbf16>
        %add3A_240 = arith.constant 2 : i32
        %add3A_241 = arith.addi %add3A_155, %add3A_240 : i32
        %get3A_242 = arith.index_cast %add3A_241 : i32 to index
        %get3A_243 = arith.constant 32 : index
        %get3A_244 = tpu.vector_load %arg12[%get3A_242, %get3A_243] {strides = array<i32>} : memref<102x64xbf16, #tpu.memory_space<vmem>>, vector<1x32xbf16>,
        %get3A_245 = vector.shape_cast %get3A_244 : vector<1x32xbf16> to vector<32xbf16>
        %get3A_246 = arith.index_cast %add3A_155 : i32 to index
        %get3A_247 = arith.constant 160 : index
        %get3A_248 = tpu.vector_load %arg13[%get3A_246, %get3A_247] {strides = array<i32>} : memref<98x320xbf16, #tpu.memory_space<vmem>>, vector<1x32xbf16>,
        %get3A_249 = vector.shape_cast %get3A_248 : vector<1x32xbf16> to vector<32xbf16>
        %mul3A_250 = arith.mulf %get3A_245, %get3A_249 : vector<32xbf16>
        %max3A_251 = arith.maximumf %max3A_239, %mul3A_250 : vector<32xbf16>
        %add3A_252 = arith.constant 3 : i32
        %add3A_253 = arith.addi %add3A_155, %add3A_252 : i32
        %get3A_254 = arith.index_cast %add3A_253 : i32 to index
        %get3A_255 = arith.constant 32 : index
        %get3A_256 = tpu.vector_load %arg12[%get3A_254, %get3A_255] {strides = array<i32>} : memref<102x64xbf16, #tpu.memory_space<vmem>>, vector<1x32xbf16>,
        %get3A_257 = vector.shape_cast %get3A_256 : vector<1x32xbf16> to vector<32xbf16>
        %get3A_258 = arith.index_cast %add3A_155 : i32 to index
        %get3A_259 = arith.constant 224 : index
        %get3A_260 = tpu.vector_load %arg13[%get3A_258, %get3A_259] {strides = array<i32>} : memref<98x320xbf16, #tpu.memory_space<vmem>>, vector<1x32xbf16>,
        %get3A_261 = vector.shape_cast %get3A_260 : vector<1x32xbf16> to vector<32xbf16>
        %mul3A_262 = arith.mulf %get3A_257, %get3A_261 : vector<32xbf16>
        %max3A_263 = arith.maximumf %max3A_251, %mul3A_262 : vector<32xbf16>
        %add3A_264 = arith.constant 4 : i32
        %add3A_265 = arith.addi %add3A_155, %add3A_264 : i32
        %get3A_266 = arith.index_cast %add3A_265 : i32 to index
        %get3A_267 = arith.constant 32 : index
        %get3A_268 = tpu.vector_load %arg12[%get3A_266, %get3A_267] {strides = array<i32>} : memref<102x64xbf16, #tpu.memory_space<vmem>>, vector<1x32xbf16>,
        %get3A_269 = vector.shape_cast %get3A_268 : vector<1x32xbf16> to vector<32xbf16>
        %get3A_270 = arith.index_cast %add3A_155 : i32 to index
        %get3A_271 = arith.constant 288 : index
        %get3A_272 = tpu.vector_load %arg13[%get3A_270, %get3A_271] {strides = array<i32>} : memref<98x320xbf16, #tpu.memory_space<vmem>>, vector<1x32xbf16>,
        %get3A_273 = vector.shape_cast %get3A_272 : vector<1x32xbf16> to vector<32xbf16>
        %mul3A_274 = arith.mulf %get3A_269, %get3A_273 : vector<32xbf16>
        %max3A_275 = arith.maximumf %max3A_263, %mul3A_274 : vector<32xbf16>
        %swap3A_276 = arith.index_cast %add3A_155 : i32 to index
        %swap3A_277 = arith.constant 32 : index
        %swap3A_278 = tpu.vector_load %arg14[%swap3A_276, %swap3A_277] {strides = array<i32>} : memref<98x64xbf16, #tpu.memory_space<vmem>>, vector<1x32xbf16>,
        %swap3A_279 = vector.shape_cast %swap3A_278 : vector<1x32xbf16> to vector<32xbf16>
        %swap3A_280 = vector.shape_cast %max3A_275 : vector<32xbf16> to vector<1x32xbf16>
        tpu.vector_store %arg14[%swap3A_276, %swap3A_277], %swap3A_280 {strides = array<i32>} : memref<98x64xbf16, #tpu.memory_space<vmem>>, vector<1x32xbf16>,
      }
      %scan3A_139 = arith.constant 98 : i32
      %add3A_140 = arith.addi %mul3A_2, %add3A_53 : i32
      %add3A_141 = arith.constant 1 : i32
      %add3A_142 = arith.addi %add3A_140, %add3A_141 : i32
      %dma_start3A_143 = arith.constant 0 : i32
      %dma_start3A_144 = arith.constant 0 : i32
      %dma_start3A_145 = tpu.memref_slice %arg6[%add3A_142, %dma_start3A_143, %dma_start3A_144] : memref<2048x98x64xbf16, #tpu.memory_space<hbm>> -> memref<1x98x64xbf16, #tpu.memory_space<hbm>>
      %dma_start3A_146 = tpu.memref_squeeze %dma_start3A_145 : memref<1x98x64xbf16, #tpu.memory_space<hbm>> -> memref<98x64xbf16, #tpu.memory_space<hbm>>
      %dma_start3A_147 = arith.constant 0 : i32
      %dma_start3A_148 = arith.constant 0 : i32
      %dma_start3A_149 = tpu.memref_slice %arg6[%add3A_142, %dma_start3A_147, %dma_start3A_148] : memref<2048x98x64xbf16, #tpu.memory_space<hbm>> -> memref<1x98x64xbf16, #tpu.memory_space<hbm>>
      %dma_start3A_150 = tpu.memref_squeeze %dma_start3A_149 : memref<1x98x64xbf16, #tpu.memory_space<hbm>> -> memref<98x64xbf16, #tpu.memory_space<hbm>>
      tpu.enqueue_dma source(%arg14 : memref<98x64xbf16, #tpu.memory_space<vmem>>) target(%dma_start3A_150 : memref<98x64xbf16, #tpu.memory_space<hbm>>) target_semaphore(%arg20 : memref<!tpu.dma_semaphore, #tpu.memory_space<semaphore_mem>>)
    }
    %scan3A_19 = arith.constant 32 : i32
    %dma_wait3A = arith.constant 0 : i32
    %dma_wait3A_20 = arith.constant 0 : i32
    %dma_wait3A_21 = tpu.memref_slice %arg7[%dma_wait3A, %dma_wait3A_20] : memref<64x102xi32, #tpu.memory_space<vmem>> -> memref<1x102xi32, #tpu.memory_space<vmem>>
    %dma_wait3A_22 = tpu.memref_squeeze %dma_wait3A_21 : memref<1x102xi32, #tpu.memory_space<vmem>> -> memref<102xi32, #tpu.memory_space<vmem>>
    %dma_wait3A_23 = arith.constant 0 : i32
    %dma_wait3A_24 = arith.constant 0 : i32
    %dma_wait3A_25 = tpu.memref_slice %arg4[%dma_wait3A_23, %dma_wait3A_24] : memref<100000x64xbf16, #tpu.memory_space<hbm>> -> memref<100000x64xbf16, #tpu.memory_space<hbm>>
    tpu.wait_indirect_dma semaphore(%arg15 : memref<!tpu.dma_semaphore, #tpu.memory_space<semaphore_mem>>) src(%dma_wait3A_25 : memref<100000x64xbf16, #tpu.memory_space<hbm>>) dst(%arg9 : memref<102x64xbf16, #tpu.memory_space<vmem>>)
    %dma_wait3A_26 = arith.constant 0 : i32
    %dma_wait3A_27 = arith.constant 0 : i32
    %dma_wait3A_28 = tpu.memref_slice %arg8[%dma_wait3A_26, %dma_wait3A_27] : memref<64x98xi32, #tpu.memory_space<vmem>> -> memref<1x98xi32, #tpu.memory_space<vmem>>
    %dma_wait3A_29 = tpu.memref_squeeze %dma_wait3A_28 : memref<1x98xi32, #tpu.memory_space<vmem>> -> memref<98xi32, #tpu.memory_space<vmem>>
    %dma_wait3A_30 = arith.constant 0 : i32
    %dma_wait3A_31 = arith.constant 0 : i32
    %dma_wait3A_32 = tpu.memref_slice %arg5[%dma_wait3A_30, %dma_wait3A_31] : memref<100000x320xbf16, #tpu.memory_space<hbm>> -> memref<100000x320xbf16, #tpu.memory_space<hbm>>
    tpu.wait_indirect_dma semaphore(%arg16 : memref<!tpu.dma_semaphore, #tpu.memory_space<semaphore_mem>>) src(%dma_wait3A_32 : memref<100000x320xbf16, #tpu.memory_space<hbm>>) dst(%arg10 : memref<98x320xbf16, #tpu.memory_space<vmem>>)
    %dma_wait3A_33 = arith.constant 0 : i32
    %dma_wait3A_34 = arith.constant 0 : i32
    %dma_wait3A_35 = tpu.memref_slice %arg6[%mul3A_2, %dma_wait3A_33, %dma_wait3A_34] : memref<2048x98x64xbf16, #tpu.memory_space<hbm>> -> memref<1x98x64xbf16, #tpu.memory_space<hbm>>
    %dma_wait3A_36 = tpu.memref_squeeze %dma_wait3A_35 : memref<1x98x64xbf16, #tpu.memory_space<hbm>> -> memref<98x64xbf16, #tpu.memory_space<hbm>>
    %dma_wait3A_37 = arith.constant 0 : i32
    %dma_wait3A_38 = arith.constant 0 : i32
    %dma_wait3A_39 = tpu.memref_slice %arg6[%mul3A_2, %dma_wait3A_37, %dma_wait3A_38] : memref<2048x98x64xbf16, #tpu.memory_space<hbm>> -> memref<1x98x64xbf16, #tpu.memory_space<hbm>>
    %dma_wait3A_40 = tpu.memref_squeeze %dma_wait3A_39 : memref<1x98x64xbf16, #tpu.memory_space<hbm>> -> memref<98x64xbf16, #tpu.memory_space<hbm>>
    tpu.wait_dma2 semaphore(%arg17 : memref<!tpu.dma_semaphore, #tpu.memory_space<semaphore_mem>>) src(%arg11 : memref<98x64xbf16, #tpu.memory_space<vmem>>) dst(%dma_wait3A_40 : memref<98x64xbf16, #tpu.memory_space<hbm>>)
    %dma_wait3A_41 = arith.constant 0 : i32
    %dma_wait3A_42 = arith.constant 0 : i32
    %dma_wait3A_43 = tpu.memref_slice %arg6[%mul3A_2, %dma_wait3A_41, %dma_wait3A_42] : memref<2048x98x64xbf16, #tpu.memory_space<hbm>> -> memref<1x98x64xbf16, #tpu.memory_space<hbm>>
    %dma_wait3A_44 = tpu.memref_squeeze %dma_wait3A_43 : memref<1x98x64xbf16, #tpu.memory_space<hbm>> -> memref<98x64xbf16, #tpu.memory_space<hbm>>
    %dma_wait3A_45 = arith.constant 0 : i32
    %dma_wait3A_46 = arith.constant 0 : i32
    %dma_wait3A_47 = tpu.memref_slice %arg6[%mul3A_2, %dma_wait3A_45, %dma_wait3A_46] : memref<2048x98x64xbf16, #tpu.memory_space<hbm>> -> memref<1x98x64xbf16, #tpu.memory_space<hbm>>
    %dma_wait3A_48 = tpu.memref_squeeze %dma_wait3A_47 : memref<1x98x64xbf16, #tpu.memory_space<hbm>> -> memref<98x64xbf16, #tpu.memory_space<hbm>>
    tpu.wait_dma2 semaphore(%arg20 : memref<!tpu.dma_semaphore, #tpu.memory_space<semaphore_mem>>) src(%arg14 : memref<98x64xbf16, #tpu.memory_space<vmem>>) dst(%dma_wait3A_48 : memref<98x64xbf16, #tpu.memory_space<hbm>>)
    return
  }
}

</mosaic_0001>

<sc_bundles>
// kernel: kernel.3.cloned.1.call-start
scs
__scs_entry_jumppad:
0x0: {  	(pc) =	sbr.rel $0x88, $3  }
0x1: {  	(tag) =	ssettag $0x0;
	lr =	simm.s32 $0x1  }
0x2: {  	[smem:$0x3F9E] =	sst lr;
	_ =	strace $0xD0000000  }
0x3: {  	_ = 	snop  }
0x4: {  	_ = 	snop  }
0x5: {  	_ = 	snop  }
0x6: {  	_ = 	snop  }
0x7: {  	_ = 	snop  }
__scs_overlays_trampoline_lowered:
0x8: {  	[smem:$0x3FAD] =	sst s0  }
0x9: {  	[smem:$0x3FAE] =	sst s1  }
0xa: {  	[smem:$0x3FAF] =	sst s2  }
0xb: {  	[smem:$0x3FB0] =	sst s3  }
0xc: {  	[smem:$0x3FB1] =	sst s4  }
0xd: {  	[smem:$0x3FB2] =	sst s5  }
0xe: {  	[smem:$0x3FB3] =	sst s6  }
0xf: {  	[smem:$0x3FB4] =	sst s7  }
0x10: {  	[smem:$0x3FB5] =	sst s8  }
0x11: {  	[smem:$0x3FB6] =	sst s9;
	s0 =	simm.s32 @!p0 $0x0  }
0x12: {  	s1 =	sld [smem:$0x3F9C];
	s0 =	simm.s32 @p0 $0x1  }
0x13: {  	[smem:$0x3FB7] =	sst s0;
	s0 =	simm.s32 @!p1 $0x0  }
0x14: {  	s2 =	sld [smem:$0x3F9B];
	s0 =	simm.s32 @p1 $0x1  }
0x15: {  	[smem:$0x3FB8] =	sst s0;
	s0 =	simm.s32 @!p2 $0x0  }
0x16: {  	s3 =	sld [smem:$0x3FDB];
	s0 =	simm.s32 @p2 $0x1  }
0x17: {  	s4 =	simm.s32 $0x1BF5;
	[smem:$0x3FBA] =	sst s0  }
0x18: {  	s0 =	sld [smem:$0x3F9D];
	_ =	swait.ge [sflag:s4], $0x0  }
0x19: {  	s7 =	sld [smem:$0x3F9E]  }
0x1a: {  	s8 =	sadd.s32 $0xFFFFE003, lr  }
0x1b: {  	s9 =	sadd.s32 $0xFFFFFEF7, lr;
	s5 =	simm.s32 $0xFFFFFFFF;
	p2 =	slt.u32 s8, $0xFFFFF086  }
0x1c: {  	p1 =	slt.u32 s9, $0xF7A;
	s5 =	simm.s32 @!p2 $0x0  }
0x1d: {  	s5 =	simm.s32 @p1 $0x1;
	p0 =	seq.s32 s7, s2  }
0x1e: {  	s7 =	smul.u32 @!p0 $0xF7A, s2;
	p2 =	seq.s32 @!p0 s5, $0x0  }
0x1f: {  	s9 =	smul.u32 $0xF7A, s1;
	s8 =	simm.s32 @!p0 $0x1BF5;
	p2 =	por !p2, p0  }
0x20: {  	[sflag:s8] =	ssyncset.s32 @!p0 $0xFFFFF086;
	s6 =	sadd.s32 @!p0 s3, s7;
	s7 =	simm.s32 @!p0 $0x108  }
0x21: {  	s3 =	sadd.s32 s3, s9;
	s6 =	sadd.s32 @!p0 $0x88, s6;
	s7 =	simm.s32 @p2 $0x1082  }
0x22: {  	[simem:s7], [sflag:s8] =	dma.local @!p0 [hbm:s6], $0xF7A  }
0x23: {  	s9 =	sor.u32 $0xD0000000, s2;
	s6 =	simm.s32 $0x108;
	_ =	swait.ge @!p0 [sflag:s8], $0x0  }
0x24: {  	s3 =	sadd.s32 $0x88, s3;
	s6 =	simm.s32 @!p1 $0x1082;
	[sflag:s4] =	ssyncset.s32 $0xFFFFF086  }
0x25: {  	[simem:s6], [sflag:s4] =	dma.local [hbm:s3], $0xF7A  }
0x26: {  	[smem:$0x3F9E] =	sst s1;
	(tag) =	ssettag s2;
	_ =	strace s9  }
0x27: {  	s1 =	sld [smem:$0x3FAE]  }
0x28: {  	s2 =	sld [smem:$0x3FAF]  }
0x29: {  	s4 =	sld [smem:$0x3FB1]  }
0x2a: {  	p0 =	seq.s32 s5, $0x0;
	s5 =	sld [smem:$0x3FB2]  }
0x2b: {  	s6 =	sld [smem:$0x3FB3]  }
0x2c: {  	s7 =	sld [smem:$0x3FB4]  }
0x2d: {  	s3 =	simm.s32 $0x108;
	s8 =	sld [smem:$0x3FB5]  }
0x2e: {  	s3 =	simm.s32 @!p0 $0x1082;
	s9 =	sld [smem:$0x3FB6]  }
0x2f: {  	lr =	sadd.s32 s0, s3;
	s0 =	sld [smem:$0x3FAD]  }
0x30: {  	s3 =	sld [smem:$0x3FB0]  }
0x31: {  	[smem:$0x3FB9] =	sst s10  }
0x32: {  	s10 =	sld [smem:$0x3FB7];
	_ =	sdelay $0x3  }
0x33: {  	p0 =	seq.s32 s10, $0x1;
	s10 =	sld [smem:$0x3FB9];
	_ =	sdelay $0x3  }
0x34: {  	[smem:$0x3FB9] =	sst s10  }
0x35: {  	s10 =	sld [smem:$0x3FB8];
	_ =	sdelay $0x3  }
0x36: {  	p1 =	seq.s32 s10, $0x1;
	s10 =	sld [smem:$0x3FB9];
	_ =	sdelay $0x3  }
0x37: {  	[smem:$0x3FB9] =	sst s10  }
0x38: {  	s10 =	sld [smem:$0x3FBA]  }
0x39: {  	_ = 	snop;
	(pc) =	sbr.ind lr, $3  }
0x3a: {  	_ = 	snop  }
0x3b: {  	_ = 	snop  }
0x3c: {  	p2 =	seq.s32 s10, $0x1;
	s10 =	sld [smem:$0x3FB9]  }
0x3d: {  	_ =	shalt  }
0x3e: {  	_ =	shalt  }
0x3f: {  	_ =	shalt  }
0x40: {  	_ =	shalt  }
0x41: {  	_ =	shalt  }
0x42: {  	_ =	shalt  }
0x43: {  	_ =	shalt  }
0x44: {  	_ =	shalt  }
0x45: {  	_ =	shalt  }
0x46: {  	_ =	shalt  }
0x47: {  	_ =	shalt  }
0x48: {  	_ =	shalt  }
0x49: {  	_ =	shalt  }
0x4a: {  	_ =	shalt  }
0x4b: {  	_ =	shalt  }
0x4c: {  	_ =	shalt  }
0x4d: {  	_ =	shalt  }
0x4e: {  	_ =	shalt  }
0x4f: {  	_ =	shalt  }
0x50: {  	_ =	shalt  }
0x51: {  	_ =	shalt  }
0x52: {  	_ =	shalt  }
0x53: {  	_ =	shalt  }
0x54: {  	_ =	shalt  }
0x55: {  	_ =	shalt  }
0x56: {  	_ =	shalt  }
0x57: {  	_ =	shalt  }
0x58: {  	_ =	shalt  }
0x59: {  	_ =	shalt  }
0x5a: {  	_ =	shalt  }
0x5b: {  	_ =	shalt  }
0x5c: {  	_ =	shalt  }
0x5d: {  	_ =	shalt  }
0x5e: {  	_ =	shalt  }
0x5f: {  	_ =	shalt  }
0x60: {  	_ =	shalt  }
0x61: {  	_ =	shalt  }
0x62: {  	_ =	shalt  }
0x63: {  	_ =	shalt  }
0x64: {  	_ =	shalt  }
0x65: {  	_ =	shalt  }
0x66: {  	_ =	shalt  }
0x67: {  	_ =	shalt  }
0x68: {  	_ =	shalt  }
0x69: {  	_ =	shalt  }
0x6a: {  	_ =	shalt  }
0x6b: {  	_ =	shalt  }
0x6c: {  	_ =	shalt  }
0x6d: {  	_ =	shalt  }
0x6e: {  	_ =	shalt  }
0x6f: {  	_ =	shalt  }
0x70: {  	_ =	shalt  }
0x71: {  	_ =	shalt  }
0x72: {  	_ =	shalt  }
0x73: {  	_ =	shalt  }
0x74: {  	_ =	shalt  }
0x75: {  	_ =	shalt  }
0x76: {  	_ =	shalt  }
0x77: {  	_ =	shalt  }
0x78: {  	_ =	shalt  }
0x79: {  	_ =	shalt  }
0x7a: {  	_ =	shalt  }
0x7b: {  	_ =	shalt  }
0x7c: {  	_ =	shalt  }
0x7d: {  	_ =	shalt  }
0x7e: {  	_ =	shalt  }
0x7f: {  	_ =	shalt  }
0x80: {  	_ =	shalt  }
0x81: {  	_ =	shalt  }
0x82: {  	_ =	shalt  }
0x83: {  	_ =	shalt  }
0x84: {  	_ =	shalt  }
0x85: {  	_ =	shalt  }
0x86: {  	_ =	shalt  }
0x87: {  	_ =	shalt  }
.Lfunc_end0:
.L_simem_size_0:
called_computation.3_lowered:
.L_overlay_start_0:
0x88: {  	s2 =	sld [smem:$0x3FD9]  }
0x89: {  	s3 =	sld [smem:$0x3FFE];
	_ =	sdelay $0x1  }
0x8a: {  	s1 =	srdreg.scid  }
0x8b: {  	s0 =	sand.u32 $0x1, s1  }
0x8c: {  	s17 =	sshll.u32 s0, $0xA;
	s2 =	sadd.s32 s3, s2  }
0x8d: {  	s2 =	sadd.s32 s2, s17  }
0x8e: {  	[smem:$0x3FC5] =	sst s2  }
0x8f: {  	_ = 	snop  }
0x90: {  	s2 =	sld [smem:$0x3FD0];
	(tm) =	ssettm $0x1  }
0x91: {  	s18 =	sld [smem:$0x3FFB];
	_ =	sdelay $0x3  }
0x92: {  	_ =	strace s18  }
0x93: {  	s3 =	sld [smem:$0x3FFC];
	_ =	sdelay $0x3  }
0x94: {  	_ =	strace s3  }
0x95: {  	s3 =	sld [smem:$0x3FFD];
	_ =	sdelay $0x3  }
0x96: {  	_ =	strace s3  }
0x97: {  	_ =	strace $0x8FFFFFFF  }
0x98: {  	s19 =	sld [smem:$0x3FDB];
	_ =	sdelay $0x1  }
0x99: {  	s4 =	simm.s32 $_scs_section_size  }
0x9a: {  	s5 =	simm.s32 $_size__tile_overlayer_lowered;
	s6 =	simm.s32 $_tile_overlayer_lowered  }
0x9b: {  	s22 =	simm.s32 $0x1BFF;
	s21 =	sshll.u32 s6, $0x1;
	s3 =	sadd.s32 s4, s19  }
0x9c: {  	s7 =	simm.s32 $0x0;
	s20 =	sshll.u32 s5, $0x1;
	s5 =	sadd.s32 s21, s3  }
0x9d: {  	[timem:s7], [sflag:s22] =	dma.local [hbm:s5], s20  }
0x9e: {  	_ =	swait.ge [sflag:s22], s20  }
0x9f: {  	s4 =	ssub.s32 $0x0, s20;
	[sflag:s22] =	ssyncset.done $0x0  }
0xa0: {  	[sflag:s22] =	ssyncadd.s32 s4;
	_ =	sdelay $0x1  }
0xa1: {  	s23 =	simm.s32 $0x1B8B  }
0xa2: {  	_ =	swait.ge [sflag:s23], $0x1  }
0xa3: {  	[sflag:s23] =	ssyncset.done $0x0  }
0xa4: {  	s25 =	simm.s32 $0x1B8E;
	s24 =	sld [smem:$0x3FFE];
	[sflag:s23] =	ssyncadd.s32 $0xFFFFFFFF  }
0xa5: {  	s26 =	simm.s32 $execute0_lowered;
	[smem:$0x3FD2] =	sst s25  }
0xa6: {  	s5 =	sshll.u32 s26, $0x1;
	_ =	strace $0x8000004C;
	[dreg:$0x1] =	wrdreg $0xFFFFFFFF  }
0xa7: {  	s28 =	simm.s32 $_size_execute0_lowered;
	s3 =	sadd.s32 s3, s5;
	[dreg:$0x0] =	wrdreg $0x0  }
0xa8: {  	s5 =	sshll.u32 s28, $0x1;
	[dreg:$0x2] =	wrdreg s3  }
0xa9: {  	[dreg:$0x3] =	wrdreg s5  }
0xaa: {  	[dreg:$0x4] =	wrdreg $0xC0  }
0xab: {  	_ =	task [dreg:s7], $0x5FFFF  }
0xac: {  	[dreg:$0x1] =	wrdreg $0xFFFFFFFF  }
0xad: {  	[dreg:$0x0] =	wrdreg $0x60  }
0xae: {  	[dreg:$0x2] =	wrdreg s24  }
0xaf: {  	[dreg:$0x3] =	wrdreg s2  }
0xb0: {  	[dreg:$0x4] =	wrdreg $0x9  }
0xb1: {  	_ =	task.clear_ibuf [dreg:s7], $0x5FFFF;
	_ =	strace $0x9000004C  }
0xb2: {  	s29 =	simm.s32 $0x9;
	_ =	strace $0x8000004E  }
0xb3: {  	_ =	swait.ge [sflag:s29], $0x1  }
0xb4: {  	[sflag:s29] =	ssyncadd.s32 $0xFFFFFFFF  }
0xb5: {  	_ =	strace $0x9000004E  }
0xb6: {  	_ =	sfence  }
0xb7: {  	s30 =	sld [smem:$0x0];
	_ =	sdelay $0x2  }
0xb8: {  	s31 =	sshll.u32 s1, $0xD;
	s1 =	sshrl.u32 s1, $0x2  }
0xb9: {  	s3 =	sand.u32 $0x4000, s31;
	s1 =	sadd.s32 s1, s30  }
0xba: {  	s0 =	sor.u32 s3, s0;
	s1 =	sshll.u32 s1, $0x11  }
0xbb: {  	s0 =	sor.u32 s1, s0  }
0xbc: {  	s0 =	sadd.s32 $0x8F2B, s0  }
0xbd: {  	[sflag:s0] =	ssyncadd.remote.s32 $0x1  }
0xbe: {  	_ =	sfence.sel $0xFFFF  }
0xbf: {  	[dreg:$0x0] =	wrdreg $0xFFFFFFFF;
	(pc) =	sbr.abs _section_cstart, $3  }
0xc0: {  	[dreg:$0x1] =	wrdreg $0xFFFFFFFF  }
0xc1: {  	_ =	task.clear_ibuf [dreg:s7], $0x2FFFF;
	_ =	strace $0x9FFFFFFF  }
0xc2: {  	(tm) =	ssettm $0x7FFFFFFF  }
0xc3: {  	_ =	shalt  }
tec
execute0_lowered:
.L_overlay_start_1:
0x0: {  	(tag) =	ssettag $0x1  }
0x1: {  	s1 =	srdreg.scid;
	s6 =	rddreg [dreg:$0x0]  }
0x2: {  	s0 =	stileid.u32;
	s2 =	rddreg [dreg:$0x1];
	s10 =	simm.s32 $0x7  }
0x3: {  	s11 =	simm.s32 $0x1A00;
	s12 =	simm.s32 $0x66;
	s13 =	simm.s32 $0x3400  }
0x4: {  	s14 =	simm.s32 $0x62;
	s15 =	simm.s32 $0x40C0;
	s16 =	simm.s32 $0x8A40  }
0x5: {  	s17 =	simm.s32 $0x9700;
	s18 =	simm.s32 $0x1;
	s19 =	simm.s32 $0x2  }
0x6: {  	s20 =	simm.s32 $0x7E00;
	s21 =	simm.s32 $0x4;
	s22 =	simm.s32 $0x5  }
0x7: {  	s23 =	simm.s32 $0xD440;
	s24 =	simm.s32 $0x3;
	s1 =	sand.u32 $0x1, s1  }
0x8: {  	s25 =	simm.s32 $0x6;
	s3 =	sshll.u32 s0, $0x7;
	s4 =	sshll.u32 s1, $0x6  }
0x9: {  	s1 =	ssub.s32 $0x2, s1;
	s3 =	sor.u32 s4, s3;
	s4 =	simm.s32 $0x0  }
0xa: {  	s7 =	sshrl.u32 s1, $0x1;
	s5 =	smul.u32 $0xD, s3;
	[smem:$0x7FF] =	sst s4  }
0xb: {  	s26 =	simm.s32 $0x0;
	s1 =	ssub.s32 s1, s7;
	_ =	strace $0x8000004D  }
0xc: {  	s8 =	sadd.s32 s5, s6;
	s5 =	sadd.s32 $0x3200, s6;
	s6 =	sadd.s32 $0x1EB800, s6  }
0xd: {  	s9 =	smax.u32 s1, $0x1;
	s7 =	sadd.s32 $0x3DA600, s8;
	s8 =	sadd.s32 $0x3D3E00, s8  }
.LBB2_1:
0xe: {  	[tilespmem:s4], [sflag:$0x7] =	stream.linear.gather [hbm4b:s7+s4], $0x1A00, $0x38;
	[tilespmem:$0xE080] =	vst v63  }
0xf: {  	_ =	swait.ge [sflag:s10], $0x1A00  }
0x10: {  	[sflag:s10] =	ssyncset.done $0x0  }
0x11: {  	[sflag:s10] =	ssyncadd.s32 $0xFFFFE600  }
0x12: {  	[tilespmem:s11], [sflag:$0x7] =	stream.linear.gather [hbm4b:s8+s4], $0x1A00, $0x38;
	[tilespmem:$0xE080] =	vst v63  }
0x13: {  	_ =	swait.ge [sflag:s10], $0x1A00  }
0x14: {  	[sflag:s10] =	ssyncset.done $0x0  }
0x15: {  	[sflag:s10] =	ssyncadd.s32 $0xFFFFE600  }
0x16: {  	[tilespmem:s13], [sflag:$0x1] =	stream.indirect.gather [hbm4b:s2+s12], $0x20, s4, s12, $0xb8;
	[tilespmem:$0xE080] =	vst v63  }
0x17: {  	s28 =	simm.s32 $0x0  }
0x18: {  	[tilespmem:s15], [sflag:$0x2] =	stream.indirect.gather [hbm4b:s5+s14], $0xA0, s11, s14, $0xb8;
	[tilespmem:$0xE080] =	vst v63  }
.LBB2_2:
0x19: {  	s1 =	smul.u32 $0xD0, s28;
	_ =	sdelay $0x1  }
0x1a: {  	s29 =	sadd.s32 $0x68, s1  }
0x1b: {  	[tilespmem:s16], [sflag:$0x4] =	stream.indirect.gather [hbm4b:s2+s12], $0x20, s29, s12, $0xb8;
	[tilespmem:$0xE080] =	vst v63  }
0x1c: {  	s1 =	sadd.s32 $0x1A68, s1  }
0x1d: {  	[tilespmem:s17], [sflag:$0x5] =	stream.indirect.gather [hbm4b:s5+s14], $0xA0, s1, s14, $0xb8;
	[tilespmem:$0xE080] =	vst v63  }
0x1e: {  	_ =	swait.ge [sflag:s18], $0xCC0  }
0x1f: {  	[sflag:s18] =	ssyncset.done $0x0  }
0x20: {  	[sflag:s18] =	ssyncadd.s32 $0xFFFFF340  }
0x21: {  	_ =	swait.ge [sflag:s19], $0x3D40  }
0x22: {  	p0 =	seq.s32 s28, $0x0;
	[sflag:s19] =	ssyncset.done $0x0  }
0x23: {  	s1 =	simm.s32 @!p0 $0x3;
	[sflag:s19] =	ssyncadd.s32 $0xFFFFC2C0  }
0x24: {  	_ =	swait.ge @!p0 [sflag:s1], $0xC40  }
0x25: {  	[sflag:s1] =	ssyncset.done @!p0 $0x0  }
0x26: {  	s30 =	simm.s32 $0x0;
	[sflag:s1] =	ssyncadd.s32 @!p0 $0xFFFFF3C0  }
0x27: {  	v0 =	vld [tilespmem:s30+$0x3460]  }
0x28: {  	v1 =	vld [tilespmem:s30+$0x3440]  }
0x29: {  	v2 =	vld [tilespmem:s30+$0x3400]  }
0x2a: {  	s29 =	simm.s32 $0x4110;
	v3 =	vld [tilespmem:s30+$0x3420]  }
0x2b: {  	v4 =	vld [tilespmem:s29+$0xFFFFFFB0]  }
0x2c: {  	v5 =	vld [tilespmem:s29+$0xFFFFFFF0]  }
0x2d: {  	v6 =	vld [tilespmem:s29+$0xFFFFFFD0]  }
0x2e: {  	v7 =	vld [tilespmem:s29+$0x30]  }
0x2f: {  	v8 =	vld [tilespmem:s29+$0x10]  }
0x30: {  	v9 =	vld [tilespmem:s30+$0x3480];
	_ =	sdelay $0x1  }
0x31: {  	v2 =	vmul.bf16 v4, v2;
	v3 =	vmul.bf16 v6, v3  }
0x32: {  	v1 =	vmul.bf16 v5, v1  }
0x33: {  	v2 =	vmax.bf16 v2, v3;
	v3 =	vmul.bf16 v8, v0;
	v0 =	vld [tilespmem:s30+$0x3490]  }
0x34: {  	v4 =	vmul.bf16 v7, v9;
	v2 =	vmax.bf16 v2, v1;
	v1 =	vld [tilespmem:s30+$0x3470]  }
0x35: {  	v3 =	vmax.bf16 v2, v3;
	v2 =	vld [tilespmem:s30+$0x3450]  }
0x36: {  	v4 =	vmax.bf16 v3, v4;
	v3 =	vld [tilespmem:s30+$0x3430]  }
0x37: {  	[tilespmem:s30+$0x7E00] =	vst v4;
	v4 =	vld [tilespmem:s30+$0x3410]  }
0x38: {  	v7 =	vld [tilespmem:s29+$0xFFFFFFC0]  }
0x39: {  	v8 =	vld [tilespmem:s29+$0xFFFFFFE0]  }
0x3a: {  	v9 =	vld [tilespmem:s29+$0x0]  }
0x3b: {  	v6 =	vld [tilespmem:s29+$0x20]  }
0x3c: {  	s31 =	sshll.u32 s28, $0x1;
	s1 =	simm.s32 $0x80;
	v5 =	vld [tilespmem:s29+$0x40]  }
.LBB2_3:
0x3d: {  	p1 =	sne.s32 s1, $0x3080  }
0x3e: {  	s29 =	sadd.s32 $0xA0, s29;
	s0 =	smov.u32 s1;
	s1 =	sadd.s32 $0x80, s1  }
0x3f: {  	v4 =	vmul.bf16 v7, v4;
	v3 =	vmul.bf16 v8, v3  }
0x40: {  	v2 =	vmul.bf16 v9, v2  }
0x41: {  	s0 =	sshra.s32 s0, $0x2;
	v3 =	vmax.bf16 v4, v3;
	v1 =	vmul.bf16 v6, v1  }
0x42: {  	v4 =	vld [tilespmem:s0+$0x3460];
	v2 =	vmax.bf16 v3, v2;
	v0 =	vmul.bf16 v5, v0  }
0x43: {  	v3 =	vld [tilespmem:s0+$0x3440];
	v1 =	vmax.bf16 v2, v1  }
0x44: {  	v2 =	vld [tilespmem:s0+$0x3400];
	v0 =	vmax.bf16 v1, v0  }
0x45: {  	v1 =	vld [tilespmem:s0+$0x3420];
	[tilespmem:s30+$0x7E10] =	vst v0;
	s30 =	smov.u32 s0  }
0x46: {  	v0 =	vld [tilespmem:s29+$0xFFFFFFB0]  }
0x47: {  	v5 =	vld [tilespmem:s29+$0xFFFFFFF0]  }
0x48: {  	v6 =	vld [tilespmem:s29+$0xFFFFFFD0]  }
0x49: {  	v7 =	vld [tilespmem:s29+$0x30]  }
0x4a: {  	v8 =	vld [tilespmem:s29+$0x10]  }
0x4b: {  	v0 =	vmul.bf16 v0, v2;
	v2 =	vld [tilespmem:s30+$0x3480]  }
0x4c: {  	v3 =	vmul.bf16 v5, v3  }
0x4d: {  	v1 =	vmul.bf16 v6, v1;
	_ =	sdelay $0x1  }
0x4e: {  	v1 =	vmax.bf16 v0, v1;
	v4 =	vmul.bf16 v8, v4;
	v0 =	vld [tilespmem:s30+$0x3490]  }
0x4f: {  	v3 =	vmax.bf16 v1, v3;
	v5 =	vmul.bf16 v7, v2;
	v1 =	vld [tilespmem:s30+$0x3470]  }
0x50: {  	v3 =	vmax.bf16 v3, v4;
	v2 =	vld [tilespmem:s30+$0x3450]  }
0x51: {  	v4 =	vmax.bf16 v3, v5;
	v3 =	vld [tilespmem:s30+$0x3430]  }
0x52: {  	[tilespmem:s30+$0x7E00] =	vst v4;
	v4 =	vld [tilespmem:s30+$0x3410]  }
.Ltmp0:
0x53: {  	v7 =	vld [tilespmem:s29+$0xFFFFFFC0];
	(pc) =	sbr.rel @p1 .LBB2_3-.Ltmp0, $4  }
0x54: {  	v8 =	vld [tilespmem:s29+$0xFFFFFFE0]  }
0x55: {  	v9 =	vld [tilespmem:s29+$0x0]  }
0x56: {  	v6 =	vld [tilespmem:s29+$0x20]  }
0x57: {  	v5 =	vld [tilespmem:s29+$0x40]  }
0x58: {  	_ = 	snop  }
0x59: {  	v4 =	vmul.bf16 v7, v4;
	v3 =	vmul.bf16 v8, v3  }
0x5a: {  	v2 =	vmul.bf16 v9, v2  }
0x5b: {  	v3 =	vmax.bf16 v4, v3;
	v1 =	vmul.bf16 v6, v1  }
0x5c: {  	s29 =	sor.u32 s3, s31;
	v2 =	vmax.bf16 v3, v2;
	v0 =	vmul.bf16 v5, v0  }
0x5d: {  	s0 =	smul.u32 $0x188, s29;
	v1 =	vmax.bf16 v2, v1  }
0x5e: {  	s1 =	smin.u32 s31, $0x3D;
	v0 =	vmax.bf16 v1, v0  }
0x5f: {  	s1 =	smul.u32 $0x68, s1;
	s0 =	sadd.s32 s6, s0;
	[tilespmem:s30+$0x7E10] =	vst v0  }
0x60: {  	[hbm4b:s0+s4] =	stream.linear.scatter [tilespmem:s20], [sflag:$0x3], $0xC40, $0x38;
	[tilespmem:$0xE080] =	vst v63  }
0x61: {  	s0 =	sadd.s32 $0xD0, s1  }
0x62: {  	[tilespmem:s13], [sflag:$0x1] =	stream.indirect.gather [hbm4b:s2+s12], $0x20, s0, s12, $0xb8;
	[tilespmem:$0xE080] =	vst v63  }
0x63: {  	s1 =	sadd.s32 $0x1AD0, s1  }
0x64: {  	[tilespmem:s15], [sflag:$0x2] =	stream.indirect.gather [hbm4b:s5+s14], $0xA0, s1, s14, $0xb8;
	[tilespmem:$0xE080] =	vst v63  }
0x65: {  	_ =	swait.ge [sflag:s21], $0xCC0  }
0x66: {  	[sflag:s21] =	ssyncset.done $0x0  }
0x67: {  	[sflag:s21] =	ssyncadd.s32 $0xFFFFF340  }
0x68: {  	_ =	swait.ge [sflag:s22], $0x3D40  }
0x69: {  	[sflag:s22] =	ssyncset.done $0x0  }
0x6a: {  	s0 =	simm.s32 @!p0 $0x6;
	[sflag:s22] =	ssyncadd.s32 $0xFFFFC2C0  }
0x6b: {  	_ =	swait.ge @!p0 [sflag:s0], $0xC40  }
0x6c: {  	[sflag:s0] =	ssyncset.done @!p0 $0x0  }
0x6d: {  	s30 =	simm.s32 $0x0;
	[sflag:s0] =	ssyncadd.s32 @!p0 $0xFFFFF3C0  }
0x6e: {  	v0 =	vld [tilespmem:s30+$0x8AA0]  }
0x6f: {  	v1 =	vld [tilespmem:s30+$0x8A80]  }
0x70: {  	v2 =	vld [tilespmem:s30+$0x8A40]  }
0x71: {  	s31 =	simm.s32 $0x9750;
	v3 =	vld [tilespmem:s30+$0x8A60]  }
0x72: {  	v4 =	vld [tilespmem:s31+$0xFFFFFFB0]  }
0x73: {  	v5 =	vld [tilespmem:s31+$0xFFFFFFF0]  }
0x74: {  	v6 =	vld [tilespmem:s31+$0xFFFFFFD0]  }
0x75: {  	v7 =	vld [tilespmem:s31+$0x30]  }
0x76: {  	v8 =	vld [tilespmem:s31+$0x10]  }
0x77: {  	v9 =	vld [tilespmem:s30+$0x8AC0];
	_ =	sdelay $0x1  }
0x78: {  	v2 =	vmul.bf16 v4, v2;
	v3 =	vmul.bf16 v6, v3  }
0x79: {  	v1 =	vmul.bf16 v5, v1  }
0x7a: {  	v5 =	vld [tilespmem:s30+$0x8A50];
	v2 =	vmax.bf16 v2, v3;
	v3 =	vmul.bf16 v8, v0  }
0x7b: {  	v4 =	vmul.bf16 v7, v9;
	v0 =	vld [tilespmem:s30+$0x8AD0];
	v2 =	vmax.bf16 v2, v1  }
0x7c: {  	v1 =	vld [tilespmem:s30+$0x8AB0];
	v3 =	vmax.bf16 v2, v3  }
0x7d: {  	v2 =	vld [tilespmem:s30+$0x8A90];
	v4 =	vmax.bf16 v3, v4  }
0x7e: {  	v3 =	vld [tilespmem:s30+$0x8A70];
	[tilespmem:s30+$0xD440] =	vst v4  }
0x7f: {  	v7 =	vld [tilespmem:s31+$0xFFFFFFC0]  }
0x80: {  	v8 =	vld [tilespmem:s31+$0xFFFFFFE0]  }
0x81: {  	v9 =	vld [tilespmem:s31+$0x0]  }
0x82: {  	v6 =	vld [tilespmem:s31+$0x20]  }
0x83: {  	s1 =	simm.s32 $0x80;
	v4 =	vld [tilespmem:s31+$0x40]  }
.LBB2_5:
0x84: {  	p0 =	sne.s32 s1, $0x3080  }
0x85: {  	s31 =	sadd.s32 $0xA0, s31;
	s0 =	smov.u32 s1;
	s1 =	sadd.s32 $0x80, s1  }
0x86: {  	v5 =	vmul.bf16 v7, v5;
	v3 =	vmul.bf16 v8, v3  }
0x87: {  	v2 =	vmul.bf16 v9, v2  }
0x88: {  	s0 =	sshra.s32 s0, $0x2;
	v3 =	vmax.bf16 v5, v3;
	v1 =	vmul.bf16 v6, v1  }
0x89: {  	v5 =	vld [tilespmem:s0+$0x8AA0];
	v2 =	vmax.bf16 v3, v2;
	v0 =	vmul.bf16 v4, v0  }
0x8a: {  	v3 =	vld [tilespmem:s0+$0x8A80];
	v1 =	vmax.bf16 v2, v1  }
0x8b: {  	v2 =	vld [tilespmem:s0+$0x8A40];
	v0 =	vmax.bf16 v1, v0  }
0x8c: {  	v1 =	vld [tilespmem:s0+$0x8A60];
	[tilespmem:s30+$0xD450] =	vst v0;
	s30 =	smov.u32 s0  }
0x8d: {  	v0 =	vld [tilespmem:s31+$0xFFFFFFB0]  }
0x8e: {  	v4 =	vld [tilespmem:s31+$0xFFFFFFF0]  }
0x8f: {  	v6 =	vld [tilespmem:s31+$0xFFFFFFD0]  }
0x90: {  	v7 =	vld [tilespmem:s31+$0x30]  }
0x91: {  	v8 =	vld [tilespmem:s31+$0x10]  }
0x92: {  	v0 =	vmul.bf16 v0, v2;
	v2 =	vld [tilespmem:s30+$0x8AC0]  }
0x93: {  	v3 =	vmul.bf16 v4, v3  }
0x94: {  	v1 =	vmul.bf16 v6, v1;
	_ =	sdelay $0x1  }
0x95: {  	v1 =	vmax.bf16 v0, v1;
	v4 =	vmul.bf16 v8, v5;
	v0 =	vld [tilespmem:s30+$0x8AD0]  }
0x96: {  	v3 =	vmax.bf16 v1, v3;
	v5 =	vmul.bf16 v7, v2;
	v1 =	vld [tilespmem:s30+$0x8AB0]  }
0x97: {  	v3 =	vmax.bf16 v3, v4;
	v2 =	vld [tilespmem:s30+$0x8A90]  }
0x98: {  	v4 =	vmax.bf16 v3, v5;
	v3 =	vld [tilespmem:s30+$0x8A70]  }
0x99: {  	[tilespmem:s30+$0xD440] =	vst v4;
	v5 =	vld [tilespmem:s30+$0x8A50]  }
.Ltmp1:
0x9a: {  	v7 =	vld [tilespmem:s31+$0xFFFFFFC0];
	(pc) =	sbr.rel @p0 .LBB2_5-.Ltmp1, $4  }
0x9b: {  	v8 =	vld [tilespmem:s31+$0xFFFFFFE0]  }
0x9c: {  	v9 =	vld [tilespmem:s31+$0x0]  }
0x9d: {  	v6 =	vld [tilespmem:s31+$0x20]  }
0x9e: {  	v4 =	vld [tilespmem:s31+$0x40]  }
0x9f: {  	_ = 	snop  }
0xa0: {  	v5 =	vmul.bf16 v7, v5;
	v3 =	vmul.bf16 v8, v3  }
0xa1: {  	s28 =	sadd.s32 $0x1, s28;
	v2 =	vmul.bf16 v9, v2  }
0xa2: {  	s0 =	smul.u32 $0x1880, s29;
	p0 =	sne.s32 s28, $0x20;
	v3 =	vmax.bf16 v5, v3;
	v1 =	vmul.bf16 v6, v1  }
.Ltmp2:
0xa3: {  	v2 =	vmax.bf16 v3, v2;
	v0 =	vmul.bf16 v4, v0;
	(pc) =	sbr.rel @p0 .LBB2_2-.Ltmp2, $4  }
0xa4: {  	s0 =	sshrl.u32 s0, $0x4;
	v1 =	vmax.bf16 v2, v1  }
0xa5: {  	s0 =	sadd.s32 s6, s0;
	v0 =	vmax.bf16 v1, v0  }
0xa6: {  	s0 =	sadd.s32 $0x188, s0;
	[tilespmem:s30+$0xD450] =	vst v0  }
0xa7: {  	[hbm4b:s0+s4] =	stream.linear.scatter [tilespmem:s23], [sflag:$0x6], $0xC40, $0x38;
	[tilespmem:$0xE080] =	vst v63  }
0xa8: {  	_ =	swait.ge [sflag:s18], $0xCC0  }
0xa9: {  	[sflag:s18] =	ssyncset.done $0x0  }
0xaa: {  	[sflag:s18] =	ssyncadd.s32 $0xFFFFF340  }
0xab: {  	_ =	swait.ge [sflag:s19], $0x3D40  }
0xac: {  	[sflag:s19] =	ssyncset.done $0x0  }
0xad: {  	s26 =	sadd.s32 $0x1, s26;
	[sflag:s19] =	ssyncadd.s32 $0xFFFFC2C0  }
0xae: {  	p0 =	sne.s32 s26, s9;
	_ =	swait.ge [sflag:s24], $0xC40  }
.Ltmp3:
0xaf: {  	[sflag:s24] =	ssyncset.done $0x0;
	(pc) =	sbr.rel @p0 .LBB2_1-.Ltmp3, $4  }
0xb0: {  	[sflag:s24] =	ssyncadd.s32 $0xFFFFF3C0  }
0xb1: {  	_ =	swait.ge [sflag:s25], $0xC40  }
0xb2: {  	[sflag:s25] =	ssyncset.done $0x0  }
0xb3: {  	[sflag:s25] =	ssyncadd.s32 $0xFFFFF3C0  }
0xb4: {  	_ =	sfence.sel $0x180000  }
0xb5: {  	[bflag:$0x0] =	sbarrier.arrive $0xFFFF  }
0xb6: {  	_ =	strace $0x9000004D  }
0xb7: {  	s0 =	stileid.u32;
	[bflag:$0x2] =	sbarrier.arrive $0xFFFF  }
0xb8: {  	p0 =	sne.s32 s0, $0x0;
	s0 =	rddreg [dreg:$0x2]  }
0xb9: {  	s0 =	sadd.s32 @!p0 $0x100000, s0  }
0xba: {  	[sflag:s0] =	ssyncadd.tile.s32 @!p0 $0x1;
	_ =	shalt  }
.Lfunc_end2:
_tile_overlayer_lowered:
.L_overlay_start_2:
0xbb: {  	(tag) =	ssettag $0x2  }
0xbc: {  	s0 =	rddreg [dreg:$0x0];
	s2 =	stileid.u32  }
0xbd: {  	s1 =	rddreg [dreg:$0x1];
	p0 =	sne.s32 s2, $0x0  }
0xbe: {  	s3 =	rddreg [dreg:$0x2];
	[bflag:$0x3] =	sbarrier.arrive $0xFFFF;
	s2 =	simm.s32 @!p0 $0x1C07  }
0xbf: {  	[timem:s3], [sflag:s2] =	dma.local @!p0 [hbm:s0], s1  }
0xc0: {  	s0 =	simm.s32 @!p0 $0x7  }
0xc1: {  	_ =	swait.ge @!p0 [sflag:s0], s1  }
0xc2: {  	s1 =	ssub.s32 @!p0 $0x0, s1;
	[sflag:s0] =	ssyncset.done @!p0 $0x0  }
0xc3: {  	[sflag:s0] =	ssyncadd.s32 @!p0 s1  }
0xc4: {  	[bflag:$0x3] =	sbarrier.arrive $0xFFFF  }
0xc5: {  	_ =	shalt  }

// kernel: sparse-core-data-format-call.1.cloned.1.call-start
scs
called_computation.1_lowered:
.L_overlay_start_0:
0x0: {  	s1 =	sld [smem:$0x3FD9]  }
0x1: {  	s2 =	sld [smem:$0x3FFE];
	_ =	sdelay $0x1  }
0x2: {  	s3 =	srdreg.scid  }
0x3: {  	s0 =	sand.u32 $0x1, s3  }
0x4: {  	s17 =	sshll.u32 s0, $0xA;
	s1 =	sadd.s32 s2, s1  }
0x5: {  	s1 =	sadd.s32 s1, s17  }
0x6: {  	[smem:$0x3FC5] =	sst s1  }
0x7: {  	_ = 	snop  }
0x8: {  	(tm) =	ssettm $0x1  }
0x9: {  	s18 =	sld [smem:$0x3FFB];
	_ =	sdelay $0x3  }
0xa: {  	_ =	strace s18  }
0xb: {  	s1 =	sld [smem:$0x3FFC];
	_ =	sdelay $0x3  }
0xc: {  	_ =	strace s1  }
0xd: {  	s1 =	sld [smem:$0x3FFD];
	_ =	sdelay $0x3  }
0xe: {  	_ =	strace s1  }
0xf: {  	_ =	strace $0x8FFFFFFF  }
0x10: {  	s19 =	sld [smem:$0x3FDB];
	_ =	sdelay $0x1  }
0x11: {  	s20 =	simm.s32 $_scs_section_size  }
0x12: {  	s4 =	simm.s32 $_size__tile_overlayer_lowered;
	s5 =	simm.s32 $_tile_overlayer_lowered  }
0x13: {  	s23 =	simm.s32 $0x1BFF;
	s22 =	sshll.u32 s5, $0x1;
	s1 =	sadd.s32 s20, s19  }
0x14: {  	s6 =	simm.s32 $0x0;
	s21 =	sshll.u32 s4, $0x1;
	s4 =	sadd.s32 s22, s1  }
0x15: {  	[timem:s6], [sflag:s23] =	dma.local [hbm:s4], s21  }
0x16: {  	_ =	swait.ge [sflag:s23], s21  }
0x17: {  	s2 =	ssub.s32 $0x0, s21;
	[sflag:s23] =	ssyncset.done $0x0  }
0x18: {  	[sflag:s23] =	ssyncadd.s32 s2;
	_ =	sdelay $0x1  }
0x19: {  	s24 =	simm.s32 $0x1B8B  }
0x1a: {  	_ =	swait.ge [sflag:s24], $0x1  }
0x1b: {  	[sflag:s24] =	ssyncset.done $0x0  }
0x1c: {  	s26 =	simm.s32 $0x1B8E;
	s25 =	sld [smem:$0x3FFE];
	[sflag:s24] =	ssyncadd.s32 $0xFFFFFFFF  }
0x1d: {  	s27 =	simm.s32 $execute0_lowered;
	[smem:$0x3FD2] =	sst s26  }
0x1e: {  	s4 =	sshll.u32 s27, $0x1;
	_ =	strace $0x80000049;
	[dreg:$0x1] =	wrdreg $0xFFFFFFFF  }
0x1f: {  	s28 =	simm.s32 $_size_execute0_lowered;
	s1 =	sadd.s32 s1, s4;
	[dreg:$0x0] =	wrdreg $0x0  }
0x20: {  	s4 =	sshll.u32 s28, $0x1;
	[dreg:$0x2] =	wrdreg s1  }
0x21: {  	[dreg:$0x3] =	wrdreg s4  }
0x22: {  	[dreg:$0x4] =	wrdreg $0xC0  }
0x23: {  	_ =	task [dreg:s6], $0x5FFFF  }
0x24: {  	[dreg:$0x1] =	wrdreg $0xFFFFFFFF  }
0x25: {  	[dreg:$0x0] =	wrdreg $0x60  }
0x26: {  	[dreg:$0x2] =	wrdreg s25  }
0x27: {  	[dreg:$0x3] =	wrdreg $0x9  }
0x28: {  	_ =	task.clear_ibuf [dreg:s6], $0x4FFFF;
	_ =	strace $0x90000049  }
0x29: {  	s29 =	simm.s32 $0x9;
	_ =	strace $0x8000004B  }
0x2a: {  	_ =	swait.ge [sflag:s29], $0x1  }
0x2b: {  	[sflag:s29] =	ssyncadd.s32 $0xFFFFFFFF  }
0x2c: {  	_ =	strace $0x9000004B  }
0x2d: {  	_ =	sfence  }
0x2e: {  	s30 =	sld [smem:$0x0];
	_ =	sdelay $0x2  }
0x2f: {  	s31 =	sshll.u32 s3, $0xD;
	s3 =	sshrl.u32 s3, $0x2  }
0x30: {  	s2 =	sand.u32 $0x4000, s31;
	s1 =	sadd.s32 s3, s30  }
0x31: {  	s0 =	sor.u32 s2, s0;
	s1 =	sshll.u32 s1, $0x11  }
0x32: {  	s0 =	sor.u32 s1, s0  }
0x33: {  	s0 =	sadd.s32 $0x8F2B, s0  }
0x34: {  	[sflag:s0] =	ssyncadd.remote.s32 $0x1  }
0x35: {  	_ =	sfence.sel $0xFFFF  }
0x36: {  	[dreg:$0x0] =	wrdreg $0xFFFFFFFF;
	(pc) =	sbr.abs _section_cstart, $3  }
0x37: {  	[dreg:$0x1] =	wrdreg $0xFFFFFFFF  }
0x38: {  	_ =	task.clear_ibuf [dreg:s6], $0x2FFFF;
	_ =	strace $0x9FFFFFFF  }
0x39: {  	(tm) =	ssettm $0x7FFFFFFF  }
tec
execute0_lowered:
.L_overlay_start_1:
0x0: {  	(tag) =	ssettag $0x1  }
0x1: {  	s0 =	srdreg.scid  }
0x2: {  	s5 =	rddreg [dreg:$0x0];
	s1 =	stileid.u32;
	s4 =	simm.s32 $0x1  }
0x3: {  	s6 =	simm.s32 $0x2;
	s8 =	simm.s32 $0x0;
	s2 =	sshll.u32 s0, $0x4  }
0x4: {  	s9 =	simm.s32 $0x0;
	s13 =	simm.s32 $0x0;
	s2 =	sand.u32 $0x10, s2  }
.Ltmp0:
0x5: {  	s10 =	simm.s32 $0x0;
	s3 =	sor.u32 s1, s2;
	(pc) =	sbr.rel .LBB1_1-.Ltmp0, $4  }
0x6: {  	s0 =	rddreg [dreg:$0x1];
	_ =	strace $0x8000004A;
	s3 =	sshll.u32 s3, $0x4  }
0x7: {  	s12 =	simm.s32 $0x0;
	[sflag:s4] =	ssyncpa.u1 $0x0;
	s7 =	ssub.s32 $0x3D00, s3  }
0x8: {  	s2 =	sadd.s32 $0x1EB800, s5;
	[sflag:s6] =	ssyncpa.u1 $0x0;
	s6 =	sshrl.u32 s7, $0x9  }
0x9: {  	s5 =	sadd.s32 $0x3200, s5;
	s11 =	smov.u32 s3;
	s7 =	sadd.s32 $0x2, s6  }
.LBB1_7:
0xa: {  	s15 =	sshll.u32 s12, $0xF  }
0xb: {  	s15 =	sand.u32 $0x8000, s15  }
0xc: {  	s16 =	sshll.u32 s10, $0x7;
	s15 =	sshrl.u32 s15, $0x1  }
0xd: {  	s16 =	sadd.s32 s5, s16;
	s15 =	sor.u32 $0x8000, s15  }
0xe: {  	[hbm4b:s16+s8] =	stream.linear.scatter [tilespmem:s15], [sflag:$0x2], s14, $0x38;
	[tilespmem:$0x10000] =	vst v63  }
.LBB1_8:
0xf: {  	p0 =	slt.u32 s12, $0x2  }
0x10: {  	p1 =	sgt.s32 @!p0 s13, $0x3CF9  }
0x11: {  	s14 =	smov.u32 s13;
	s15 =	sshra.s32 @!p0 s13, $0x1F;
	p1 =	por !p1, p0  }
0x12: {  	s13 =	sand.u32 @!p0 s15, s13;
	s14 =	simm.s32 @p1 $0x3CF9  }
0x13: {  	s13 =	ssub.s32 @!p0 s14, s13  }
0x14: {  	s13 =	sadd.s32 @!p0 $0xFFFFC307, s13  }
0x15: {  	s14 =	sshll.u32 @!p0 s13, $0xC  }
0x16: {  	p1 =	sgt.s32 @!p0 s13, $0xF;
	s13 =	ssub.s32 @!p0 $0x10000, s14  }
0x17: {  	s15 =	sadd.s32 $0x200, s11;
	p1 =	por !p1, p0;
	s13 =	sshrl.u32 @!p0 s13, $0x2  }
0x18: {  	s13 =	simm.s32 @!p1 $0x0;
	p1 =	sgt.s32 s15, $0x3D08  }
0x19: {  	s15 =	smov.u32 @p1 s3;
	p1 =	sne.s32 s12, s7  }
.Ltmp1:
0x1a: {  	_ = 	snop;
	(pc) =	sbr.rel @!p1 .LBB1_9-.Ltmp1, $4  }
0x1b: {  	s14 =	simm.s32 @!p0 $0x2  }
0x1c: {  	s9 =	sadd.s32 $0x8000, s9;
	_ =	swait.ge @!p0 [sflag:s14], s13;
	s16 =	ssub.s32 @!p0 $0x0, s13  }
0x1d: {  	s13 =	smov.u32 s10;
	s12 =	sadd.s32 $0x1, s12;
	[sflag:s14] =	ssyncset.done @!p0 $0x0  }
0x1e: {  	s10 =	smov.u32 s11;
	s11 =	smov.u32 s15;
	[sflag:s14] =	ssyncadd.s32 @!p0 s16  }
.LBB1_1:
0x1f: {  	p0 =	sgt.u32 s12, s6  }
0x20: {  	p1 =	sgt.s32 @!p0 s11, $0x3CF9  }
0x21: {  	s14 =	smov.u32 s11;
	s15 =	sshra.s32 @!p0 s11, $0x1F;
	p1 =	por !p1, p0  }
0x22: {  	s15 =	sand.u32 @!p0 s15, s11;
	s14 =	simm.s32 @p1 $0x3CF9  }
0x23: {  	s14 =	ssub.s32 @!p0 s14, s15  }
0x24: {  	s14 =	sadd.s32 @!p0 $0xFFFFC307, s14  }
0x25: {  	s16 =	sshll.u32 @!p0 s11, $0x7;
	s17 =	simm.s32 @!p0 $0x0;
	s15 =	sshll.u32 @!p0 s14, $0xC  }
0x26: {  	p1 =	sgt.s32 @!p0 s14, $0xF;
	s14 =	ssub.s32 @!p0 $0x10000, s15;
	s15 =	sxor.u32 @!p0 $0xFFFFFFFF, s12  }
0x27: {  	p1 =	por !p1, p0;
	s14 =	sshrl.u32 @!p0 s14, $0x2;
	s15 =	sshll.u32 @!p0 s15, $0xE  }
0x28: {  	s16 =	sadd.s32 @!p0 s2, s16;
	s14 =	simm.s32 @!p1 $0x0;
	s15 =	sand.u32 @!p0 $0x4000, s15  }
0x29: {  	[tilespmem:s15], [sflag:$0x1] =	stream.linear.gather @!p0 [hbm4b:s16+s17], s14, $0x38;
	[tilespmem:$0x10000] =	vst v63  }
0x2a: {  	p0 =	seq.s32 s12, $0x0  }
0x2b: {  	p1 =	sge.u32 @!p0 s12, s7  }
0x2c: {  	p0 =	por p0, p1  }
.Ltmp2:
0x2d: {  	_ = 	snop;
	(pc) =	sbr.rel @p0 .LBB1_8-.Ltmp2, $1  }
0x2e: {  	_ =	sdelay $0x3  }
0x2f: {  	p0 =	sgt.s32 s10, $0x3CF9;
	s14 =	smov.u32 s10;
	s15 =	sshra.s32 s10, $0x1F  }
0x30: {  	s14 =	simm.s32 @!p0 $0x3CF9;
	s15 =	sand.u32 s15, s10  }
0x31: {  	s14 =	ssub.s32 s14, s15  }
0x32: {  	s16 =	sadd.s32 $0x10, s10;
	s14 =	sadd.s32 $0xFFFFC307, s14  }
0x33: {  	p1 =	slt.s32 s16, $0x3D09;
	s30 =	sshll.u32 s14, $0xC  }
0x34: {  	s16 =	simm.s32 @!p1 $0x3D09;
	s15 =	ssub.s32 $0x10000, s30  }
0x35: {  	p0 =	sgt.s32 s14, $0xF;
	s14 =	sshrl.u32 s15, $0x2;
	s15 =	ssub.s32 s16, s10  }
0x36: {  	s14 =	simm.s32 @p0 $0x0;
	p0 =	slt.s32 s15, $0x1  }
.Ltmp3:
0x37: {  	_ = 	snop;
	(pc) =	sbr.rel @p0 .LBB1_7-.Ltmp3, $4  }
0x38: {  	_ = 	snop  }
0x39: {  	_ =	swait.ge [sflag:s4], s14  }
0x3a: {  	s31 =	ssub.s32 $0x0, s14;
	[sflag:s4] =	ssyncset.done $0x0  }
0x3b: {  	[sflag:s4] =	ssyncadd.s32 s31  }
0x3c: {  	s16 =	sshrl.u32 s9, $0x1  }
0x3d: {  	s17 =	sand.u32 $0x4000, s16  }
0x3e: {  	s18 =	simm.s32 $0x0;
	s16 =	sor.u32 $0x200, s17;
	s17 =	sor.u32 $0x8080, s17  }
.LBB1_4:
0x3f: {  	v0 =	vld [tilespmem:s16+$0xFFFFFE70]  }
0x40: {  	v1 =	vld [tilespmem:s16+$0x70]  }
0x41: {  	v2 =	vld [tilespmem:s16+$0x0]  }
0x42: {  	v3 =	vld [tilespmem:s16+$0xFFFFFE10]  }
0x43: {  	v4 =	vld [tilespmem:s16+$0x10]  }
0x44: {  	v5 =	vld [tilespmem:s16+$0xFFFFFE20]  }
0x45: {  	v7 =	vld [tilespmem:s16+$0x20]  }
0x46: {  	v11 =	vld [tilespmem:s16+$0x30];
	v6 =	vunpack.i.l.s16.s32 v0;
	v8 =	vunpack.i.u.s16.s32 v0;
	v9 =	vunpack.i.u.s16.s32 v1  }
0x47: {  	v10 =	vunpack.i.l.s16.s32 v1;
	v0 =	vunpack.i.u.s16.s32 v2;
	v1 =	vunpack.i.l.s16.s32 v2;
	v2 =	vld [tilespmem:s16+$0xFFFFFE30]  }
0x48: {  	v8 =	vpack.i.b32.b16 v9, v8;
	v9 =	vunpack.i.u.s16.s32 v3;
	v3 =	vunpack.i.l.s16.s32 v3  }
0x49: {  	v12 =	vld [tilespmem:s16+$0xFFFFFE40];
	v6 =	vpack.i.b32.b16 v10, v6;
	[tilespmem:s17+$0x70] =	vst v8;
	v8 =	vunpack.i.u.s16.s32 v4;
	v4 =	vunpack.i.l.s16.s32 v4  }
0x4a: {  	v13 =	vld [tilespmem:s16+$0x40];
	v10 =	vunpack.i.u.s16.s32 v5;
	v5 =	vunpack.i.l.s16.s32 v5;
	[tilespmem:s17+$0xFFFFFFF0] =	vst v6;
	v3 =	vpack.i.b32.b16 v4, v3  }
0x4b: {  	v6 =	vunpack.i.l.s16.s32 v7;
	v4 =	vld [tilespmem:s16+$0xFFFFFE50];
	[tilespmem:s17+$0xFFFFFF90] =	vst v3;
	v3 =	vpack.i.b32.b16 v8, v9;
	v8 =	vunpack.i.u.s16.s32 v7  }
0x4c: {  	v7 =	vunpack.i.l.s16.s32 v11;
	[tilespmem:s17+$0x10] =	vst v3;
	v3 =	vpack.i.b32.b16 v6, v5;
	v9 =	vunpack.i.u.s16.s32 v2;
	v6 =	vld [tilespmem:s16+$0x50]  }
0x4d: {  	v5 =	vunpack.i.l.s16.s32 v2;
	v2 =	vld [tilespmem:s16+$0xFFFFFE60];
	[tilespmem:s17+$0xFFFFFFA0] =	vst v3;
	v3 =	vpack.i.b32.b16 v8, v10;
	v10 =	vunpack.i.u.s16.s32 v11  }
0x4e: {  	s21 =	simm.s32 $0x0;
	v11 =	vpack.i.b32.b16 v7, v5;
	v7 =	vunpack.i.u.s16.s32 v12;
	v8 =	vunpack.i.l.s16.s32 v12;
	[tilespmem:s17+$0x20] =	vst v3;
	v3 =	vld [tilespmem:s16+$0x60]  }
0x4f: {  	s22 =	sadd.s32 $0x80, s16;
	s20 =	smov.u32 s17;
	s19 =	smov.u32 s17;
	v5 =	vld [tilespmem:s16+$0xFFFFFE00];
	[tilespmem:s17+$0xFFFFFFB0] =	vst v11;
	v10 =	vpack.i.b32.b16 v10, v9;
	v9 =	vunpack.i.u.s16.s32 v13;
	v11 =	vunpack.i.l.s16.s32 v13  }
.LBB1_5:
0x50: {  	v12 =	vld [tilespmem:s22+$0xFFFFFE70];
	[tilespmem:s20+$0x30] =	vst v10;
	v8 =	vpack.i.b32.b16 v11, v8;
	v10 =	vunpack.i.u.s16.s32 v4;
	v4 =	vunpack.i.l.s16.s32 v4  }
0x51: {  	s21 =	sadd.s32 $0x2, s21;
	v7 =	vpack.i.b32.b16 v9, v7;
	v11 =	vld [tilespmem:s22+$0x70];
	[tilespmem:s20+$0xFFFFFFC0] =	vst v8;
	v8 =	vunpack.i.u.s16.s32 v6;
	v6 =	vunpack.i.l.s16.s32 v6  }
0x52: {  	p0 =	slt.u32 s21, $0x6;
	v9 =	vld [tilespmem:s22+$0x0];
	[tilespmem:s20+$0x40] =	vst v7;
	v4 =	vpack.i.b32.b16 v6, v4;
	v6 =	vunpack.i.u.s16.s32 v2;
	v2 =	vunpack.i.l.s16.s32 v2  }
0x53: {  	v7 =	vld [tilespmem:s22+$0xFFFFFE10];
	[tilespmem:s20+$0xFFFFFFD0] =	vst v4;
	v4 =	vpack.i.b32.b16 v8, v10;
	v8 =	vunpack.i.u.s16.s32 v3;
	v3 =	vunpack.i.l.s16.s32 v3  }
0x54: {  	v10 =	vld [tilespmem:s22+$0x10];
	v13 =	vunpack.i.u.s16.s32 v5;
	v5 =	vunpack.i.l.s16.s32 v5;
	[tilespmem:s20+$0x50] =	vst v4;
	v2 =	vpack.i.b32.b16 v3, v2  }
0x55: {  	v3 =	vld [tilespmem:s22+$0xFFFFFE20];
	v4 =	vunpack.i.l.s16.s32 v12;
	v1 =	vpack.i.b32.b16 v1, v5;
	v5 =	vpack.i.b32.b16 v0, v13;
	[tilespmem:s20+$0xFFFFFFE0] =	vst v2  }
0x56: {  	v12 =	vunpack.i.u.s16.s32 v12;
	v2 =	vld [tilespmem:s22+$0x20];
	v13 =	vunpack.i.u.s16.s32 v11;
	v11 =	vunpack.i.l.s16.s32 v11;
	[tilespmem:s20+$0xFFFFFF80] =	vst v1  }
0x57: {  	s20 =	sadd.s32 $0x100, s20;
	v0 =	vunpack.i.u.s16.s32 v9;
	v1 =	vunpack.i.l.s16.s32 v9;
	v9 =	vld [tilespmem:s22+$0xFFFFFE30];
	v12 =	vpack.i.b32.b16 v13, v12;
	[tilespmem:s19+$0x0] =	vst v5  }
0x58: {  	v6 =	vpack.i.b32.b16 v8, v6;
	v5 =	vunpack.i.u.s16.s32 v7;
	v7 =	vunpack.i.l.s16.s32 v7;
	v13 =	vld [tilespmem:s22+$0x30];
	[tilespmem:s20+$0x70] =	vst v12  }
0x59: {  	v4 =	vpack.i.b32.b16 v11, v4;
	v8 =	vunpack.i.u.s16.s32 v10;
	v10 =	vunpack.i.l.s16.s32 v10;
	v12 =	vld [tilespmem:s22+$0xFFFFFE40];
	[tilespmem:s19+$0x60] =	vst v6;
	s19 =	smov.u32 s20  }
0x5a: {  	v6 =	vpack.i.b32.b16 v10, v7;
	v7 =	vunpack.i.u.s16.s32 v3;
	v3 =	vunpack.i.l.s16.s32 v3;
	v11 =	vld [tilespmem:s22+$0x40];
	[tilespmem:s20+$0xFFFFFFF0] =	vst v4  }
.Ltmp4:
0x5b: {  	v5 =	vpack.i.b32.b16 v8, v5;
	[tilespmem:s20+$0xFFFFFF90] =	vst v6;
	v8 =	vunpack.i.u.s16.s32 v2;
	v2 =	vunpack.i.l.s16.s32 v2;
	v4 =	vld [tilespmem:s22+$0xFFFFFE50];
	(pc) =	sbr.rel @p0 .LBB1_5-.Ltmp4, $4  }
0x5c: {  	[tilespmem:s20+$0x10] =	vst v5;
	v2 =	vpack.i.b32.b16 v2, v3;
	v10 =	vunpack.i.u.s16.s32 v9;
	v3 =	vunpack.i.l.s16.s32 v9;
	v6 =	vld [tilespmem:s22+$0x50]  }
0x5d: {  	v5 =	vpack.i.b32.b16 v8, v7;
	[tilespmem:s20+$0xFFFFFFA0] =	vst v2;
	v9 =	vunpack.i.u.s16.s32 v13;
	v7 =	vunpack.i.l.s16.s32 v13;
	v2 =	vld [tilespmem:s22+$0xFFFFFE60]  }
0x5e: {  	[tilespmem:s20+$0x20] =	vst v5;
	v13 =	vpack.i.b32.b16 v7, v3;
	v7 =	vunpack.i.u.s16.s32 v12;
	v8 =	vunpack.i.l.s16.s32 v12;
	v3 =	vld [tilespmem:s22+$0x60]  }
0x5f: {  	v10 =	vpack.i.b32.b16 v9, v10;
	v5 =	vld [tilespmem:s22+$0xFFFFFE00];
	[tilespmem:s20+$0xFFFFFFB0] =	vst v13;
	v9 =	vunpack.i.u.s16.s32 v11;
	v11 =	vunpack.i.l.s16.s32 v11;
	s22 =	sadd.s32 $0x80, s22  }
0x60: {  	[tilespmem:s20+$0x30] =	vst v10;
	v8 =	vpack.i.b32.b16 v11, v8  }
0x61: {  	v51 =	vunpack.i.l.s16.s32 v4;
	v7 =	vpack.i.b32.b16 v9, v7;
	[tilespmem:s20+$0xFFFFFFC0] =	vst v8;
	v52 =	vunpack.i.l.s16.s32 v6  }
0x62: {  	v53 =	vunpack.i.u.s16.s32 v4;
	s18 =	sadd.s32 $0x1, s18;
	v54 =	vunpack.i.u.s16.s32 v6;
	[tilespmem:s20+$0x40] =	vst v7;
	v55 =	vpack.i.b32.b16 v52, v51  }
0x63: {  	p0 =	sne.s32 s18, s15;
	v56 =	vunpack.i.l.s16.s32 v2;
	v4 =	vpack.i.b32.b16 v54, v53;
	[tilespmem:s20+$0xFFFFFFD0] =	vst v55;
	v57 =	vunpack.i.l.s16.s32 v3  }
.Ltmp5:
0x64: {  	[tilespmem:s20+$0x50] =	vst v4;
	v58 =	vunpack.i.l.s16.s32 v5;
	v59 =	vpack.i.b32.b16 v57, v56;
	(pc) =	sbr.rel @p0 .LBB1_4-.Ltmp5, $4  }
.Ltmp6:
0x65: {  	v61 =	vunpack.i.u.s16.s32 v2;
	v62 =	vunpack.i.u.s16.s32 v3;
	v1 =	vpack.i.b32.b16 v1, v58;
	[tilespmem:s20+$0xFFFFFFE0] =	vst v59;
	(pc) =	sbr.rel @!p0 .LBB1_7-.Ltmp6, $4  }
0x66: {  	v60 =	vunpack.i.u.s16.s32 v5;
	v63 =	vpack.i.b32.b16 v62, v61;
	[tilespmem:s20+$0xFFFFFF80] =	vst v1  }
0x67: {  	v0 =	vpack.i.b32.b16 v0, v60;
	[tilespmem:s19+$0x60] =	vst v63  }
0x68: {  	s16 =	sadd.s32 $0x400, s16;
	s17 =	sadd.s32 $0x400, s17;
	[tilespmem:s19+$0x0] =	vst v0  }
0x69: {  	_ = 	snop  }
.LBB1_9:
0x6a: {  	_ =	sfence.sel $0x180000  }
0x6b: {  	s2 =	simm.s32 $0x1;
	[bflag:$0x0] =	sbarrier.arrive $0xFFFF  }
0x6c: {  	s31 =	simm.s32 $0x2;
	[sflag:s2] =	ssyncpa.u1 $0x1  }
0x6d: {  	[sflag:s31] =	ssyncpa.u1 $0x1  }
0x6e: {  	p0 =	sne.s32 s1, $0x0;
	_ =	strace $0x9000004A  }
0x6f: {  	s0 =	sadd.s32 @!p0 $0x100000, s0;
	[bflag:$0x2] =	sbarrier.arrive $0xFFFF  }
0x70: {  	[sflag:s0] =	ssyncadd.tile.s32 @!p0 $0x1;
	_ =	shalt  }
.Lfunc_end1:
_tile_overlayer_lowered:
.L_overlay_start_2:
0x71: {  	(tag) =	ssettag $0x2  }
0x72: {  	s0 =	rddreg [dreg:$0x0];
	s2 =	stileid.u32  }
0x73: {  	s1 =	rddreg [dreg:$0x1];
	p0 =	sne.s32 s2, $0x0  }
0x74: {  	s3 =	rddreg [dreg:$0x2];
	[bflag:$0x3] =	sbarrier.arrive $0xFFFF;
	s2 =	simm.s32 @!p0 $0x1C01  }
0x75: {  	[timem:s3], [sflag:s2] =	dma.local @!p0 [hbm:s0], s1  }
0x76: {  	s0 =	simm.s32 @!p0 $0x1  }
0x77: {  	_ =	swait.ge @!p0 [sflag:s0], s1  }
0x78: {  	s1 =	ssub.s32 @!p0 $0x0, s1;
	[sflag:s0] =	ssyncset.done @!p0 $0x0  }
0x79: {  	[sflag:s0] =	ssyncadd.s32 @!p0 s1  }
0x7a: {  	[bflag:$0x3] =	sbarrier.arrive $0xFFFF  }
0x7b: {  	_ =	shalt  }

// kernel: sparse-core-data-format-call.2.cloned.1.call-start
scs
called_computation.2_lowered:
.L_overlay_start_0:
0x0: {  	s1 =	sld [smem:$0x3FD9]  }
0x1: {  	s2 =	sld [smem:$0x3FFE];
	_ =	sdelay $0x1  }
0x2: {  	s3 =	srdreg.scid  }
0x3: {  	s0 =	sand.u32 $0x1, s3  }
0x4: {  	s17 =	sshll.u32 s0, $0xA;
	s1 =	sadd.s32 s2, s1  }
0x5: {  	s1 =	sadd.s32 s1, s17  }
0x6: {  	[smem:$0x3FC5] =	sst s1  }
0x7: {  	_ = 	snop  }
0x8: {  	(tm) =	ssettm $0x1  }
0x9: {  	s18 =	sld [smem:$0x3FFB];
	_ =	sdelay $0x3  }
0xa: {  	_ =	strace s18  }
0xb: {  	s1 =	sld [smem:$0x3FFC];
	_ =	sdelay $0x3  }
0xc: {  	_ =	strace s1  }
0xd: {  	s1 =	sld [smem:$0x3FFD];
	_ =	sdelay $0x3  }
0xe: {  	_ =	strace s1  }
0xf: {  	_ =	strace $0x8FFFFFFF  }
0x10: {  	s19 =	sld [smem:$0x3FDB];
	_ =	sdelay $0x1  }
0x11: {  	s20 =	simm.s32 $_scs_section_size  }
0x12: {  	s4 =	simm.s32 $_size__tile_overlayer_lowered;
	s5 =	simm.s32 $_tile_overlayer_lowered  }
0x13: {  	s23 =	simm.s32 $0x1BFF;
	s22 =	sshll.u32 s5, $0x1;
	s1 =	sadd.s32 s20, s19  }
0x14: {  	s6 =	simm.s32 $0x0;
	s21 =	sshll.u32 s4, $0x1;
	s4 =	sadd.s32 s22, s1  }
0x15: {  	[timem:s6], [sflag:s23] =	dma.local [hbm:s4], s21  }
0x16: {  	_ =	swait.ge [sflag:s23], s21  }
0x17: {  	s2 =	ssub.s32 $0x0, s21;
	[sflag:s23] =	ssyncset.done $0x0  }
0x18: {  	[sflag:s23] =	ssyncadd.s32 s2;
	_ =	sdelay $0x1  }
0x19: {  	s24 =	simm.s32 $0x1B8B  }
0x1a: {  	_ =	swait.ge [sflag:s24], $0x1  }
0x1b: {  	[sflag:s24] =	ssyncset.done $0x0  }
0x1c: {  	s26 =	simm.s32 $0x1B8E;
	s25 =	sld [smem:$0x3FFE];
	[sflag:s24] =	ssyncadd.s32 $0xFFFFFFFF  }
0x1d: {  	s27 =	simm.s32 $execute0_lowered;
	[smem:$0x3FD2] =	sst s26  }
0x1e: {  	s4 =	sshll.u32 s27, $0x1;
	_ =	strace $0x80000046;
	[dreg:$0x1] =	wrdreg $0xFFFFFFFF  }
0x1f: {  	s28 =	simm.s32 $_size_execute0_lowered;
	s1 =	sadd.s32 s1, s4;
	[dreg:$0x0] =	wrdreg $0x0  }
0x20: {  	s4 =	sshll.u32 s28, $0x1;
	[dreg:$0x2] =	wrdreg s1  }
0x21: {  	[dreg:$0x3] =	wrdreg s4  }
0x22: {  	[dreg:$0x4] =	wrdreg $0xC0  }
0x23: {  	_ =	task [dreg:s6], $0x5FFFF  }
0x24: {  	[dreg:$0x1] =	wrdreg $0xFFFFFFFF  }
0x25: {  	[dreg:$0x0] =	wrdreg $0x60  }
0x26: {  	[dreg:$0x2] =	wrdreg s25  }
0x27: {  	[dreg:$0x3] =	wrdreg $0x9  }
0x28: {  	_ =	task.clear_ibuf [dreg:s6], $0x4FFFF;
	_ =	strace $0x90000046  }
0x29: {  	s29 =	simm.s32 $0x9;
	_ =	strace $0x80000048  }
0x2a: {  	_ =	swait.ge [sflag:s29], $0x1  }
0x2b: {  	[sflag:s29] =	ssyncadd.s32 $0xFFFFFFFF  }
0x2c: {  	_ =	strace $0x90000048  }
0x2d: {  	_ =	sfence  }
0x2e: {  	s30 =	sld [smem:$0x0];
	_ =	sdelay $0x2  }
0x2f: {  	s31 =	sshll.u32 s3, $0xD;
	s3 =	sshrl.u32 s3, $0x2  }
0x30: {  	s2 =	sand.u32 $0x4000, s31;
	s1 =	sadd.s32 s3, s30  }
0x31: {  	s0 =	sor.u32 s2, s0;
	s1 =	sshll.u32 s1, $0x11  }
0x32: {  	s0 =	sor.u32 s1, s0  }
0x33: {  	s0 =	sadd.s32 $0x8F2B, s0  }
0x34: {  	[sflag:s0] =	ssyncadd.remote.s32 $0x1  }
0x35: {  	_ =	sfence.sel $0xFFFF  }
0x36: {  	[dreg:$0x0] =	wrdreg $0xFFFFFFFF;
	(pc) =	sbr.abs _section_cstart, $3  }
0x37: {  	[dreg:$0x1] =	wrdreg $0xFFFFFFFF  }
0x38: {  	_ =	task.clear_ibuf [dreg:s6], $0x2FFFF;
	_ =	strace $0x9FFFFFFF  }
0x39: {  	(tm) =	ssettm $0x7FFFFFFF  }
tec
execute0_lowered:
.L_overlay_start_1:
0x0: {  	(tag) =	ssettag $0x1  }
0x1: {  	s0 =	srdreg.scid  }
0x2: {  	s0 =	sshll.u32 s0, $0x4  }
0x3: {  	s1 =	stileid.u32;
	s0 =	sand.u32 $0x10, s0  }
0x4: {  	s0 =	sor.u32 s1, s0  }
0x5: {  	s29 =	rddreg [dreg:$0x0];
	_ =	strace $0x80000047;
	s3 =	sshll.u32 s0, $0x8  }
0x6: {  	s2 =	simm.s32 $0x1;
	s30 =	simm.s32 $0x2;
	s0 =	ssub.s32 $0x18600, s3  }
0x7: {  	s14 =	simm.s32 $0x0;
	s13 =	simm.s32 $0x0;
	s0 =	sshrl.u32 s0, $0xD  }
0x8: {  	s8 =	simm.s32 $0x0;
	s4 =	sadd.s32 $0x3200, s29;
	s0 =	smul.u32 $0x3, s0  }
.Ltmp0:
0x9: {  	[dreg:$0x3] =	wrdreg s4;
	s1 =	sadd.s32 $0x1EBE00, s29;
	(pc) =	sbr.rel .LBB1_1-.Ltmp0, $4  }
0xa: {  	s10 =	simm.s32 $0x0;
	s12 =	simm.s32 $0x0;
	[dreg:$0x4] =	wrdreg s1  }
0xb: {  	s11 =	simm.s32 $0x0;
	[dreg:$0x2] =	wrdreg s3;
	s31 =	sadd.s32 $0x3, s0  }
0xc: {  	[sflag:s2] =	ssyncpa.u1 $0x0;
	s7 =	sadd.s32 $0x4, s0;
	[dreg:$0x5] =	wrdreg s31  }
0xd: {  	[sflag:s30] =	ssyncpa.u1 $0x0;
	s9 =	smov.u32 s3;
	[dreg:$0x6] =	wrdreg s7  }
.LBB1_12:
0xe: {  	s8 =	rddreg [dreg:$0x7]  }
0xf: {  	s10 =	rddreg [dreg:$0x9]  }
0x10: {  	s4 =	rddreg [dreg:$0xf]  }
0x11: {  	s5 =	rddreg [dreg:$0xd]  }
0x12: {  	s29 =	rddreg [dreg:$0x4]  }
0x13: {  	s30 =	rddreg [dreg:$0xe];
	s0 =	sshrl.u32 s8, $0x3  }
0x14: {  	s1 =	sshll.u32 s10, $0x3;
	s2 =	sshll.u32 s8, $0x7;
	s20 =	sshll.u32 s10, $0x1  }
0x15: {  	s22 =	sand.u32 $0x1, s8;
	p0 =	sgt.s32 s8, $0x185A0;
	s3 =	smov.u32 s10  }
0x16: {  	s0 =	smul.u32 $0xC00, s0;
	s19 =	sand.u32 $0x300, s2;
	s2 =	smov.u32 s8  }
0x17: {  	s1 =	sand.u32 $0xFFFFFC00, s1;
	s2 =	simm.s32 @!p0 $0x185A0;
	p0 =	sgt.s32 s10, $0x100  }
0x18: {  	s21 =	sand.u32 $0xFE, s20;
	s0 =	sadd.s32 s1, s0;
	s3 =	simm.s32 @!p0 $0x100  }
0x19: {  	s2 =	sadd.s32 s4, s2;
	s0 =	sor.u32 s19, s0;
	s3 =	sadd.s32 s5, s3  }
0x1a: {  	s24 =	sadd.s32 $0xFFFE7A60, s2;
	s2 =	ssub.s32 $0x186A0, s2;
	s0 =	sor.u32 s21, s0  }
0x1b: {  	p0 =	sgt.s32 s24, $0xFF;
	s1 =	sor.u32 s22, s0;
	s0 =	smulhi.u32 $0xAAAAAAAB, s0  }
0x1c: {  	s25 =	sadd.s32 $0xFFFFFF00, s3;
	s3 =	ssub.s32 $0x180, s3;
	s2 =	simm.s32 @p0 $0x0  }
0x1d: {  	p0 =	sgt.s32 s25, $0x7F;
	s23 =	smulhi.u32 $0xAAAAAAAB, s1;
	s0 =	sshrl.u32 s0, $0x8  }
0x1e: {  	s7 =	rddreg [dreg:$0x6];
	s3 =	simm.s32 @p0 $0x0;
	s26 =	smulhi.u32 $0x14F8B59, s0  }
0x1f: {  	s9 =	rddreg [dreg:$0x8];
	s2 =	smul.u32 s3, s2;
	s27 =	sshrl.u32 s23, $0x8  }
0x20: {  	s11 =	rddreg [dreg:$0xa];
	s3 =	smul.u32 $0x180, s27;
	s28 =	sshrl.u32 s26, $0x9  }
0x21: {  	s13 =	rddreg [dreg:$0xb];
	s4 =	smul.u32 $0x186A0, s28  }
0x22: {  	s31 =	simm.s32 $0x600;
	s14 =	rddreg [dreg:$0xc]  }
0x23: {  	s2 =	sshrl.u32 s2, $0x1;
	s1 =	ssub.s32 s1, s3;
	s0 =	ssub.s32 s0, s4  }
0x24: {  	s3 =	sshrl.u32 s1, $0x4;
	s1 =	sshll.u32 s1, $0x11;
	s0 =	smul.u32 $0x18, s0  }
0x25: {  	s2 =	sand.u32 $0x3FFFFFFF, s2;
	s3 =	sadd.s32 s29, s3;
	s1 =	sand.u32 $0x1C0000, s1  }
0x26: {  	s4 =	sor.u32 $0x8000, s30;
	s1 =	sor.u32 $0x200, s1;
	s0 =	sadd.s32 s0, s3  }
0x27: {  	[hbm4b:s0+s1] =	stream.strided.scatter [tilespmem:s4], [sflag:$0x2], s2, s31, s1, $0x20;
	[tilespmem:$0x10100] =	vst v63  }
.LBB1_13:
0x28: {  	p0 =	slt.u32 s11, $0x2  }
0x29: {  	s1 =	smov.u32 s14;
	s2 =	smov.u32 s13;
	p1 =	sgt.s32 @!p0 s14, $0x185A0  }
0x2a: {  	s0 =	sshra.s32 @!p0 s14, $0x1F;
	p2 =	sgt.s32 @!p0 s13, $0x100;
	s3 =	sshra.s32 @!p0 s13, $0x1F  }
0x2b: {  	p1 =	por !p1, p0;
	s0 =	sand.u32 @!p0 s0, s14;
	p2 =	por !p2, p0  }
0x2c: {  	s3 =	sand.u32 @!p0 s3, s13;
	s1 =	simm.s32 @p1 $0x185A0;
	s2 =	simm.s32 @p2 $0x100  }
0x2d: {  	s0 =	ssub.s32 @!p0 s1, s0;
	s1 =	ssub.s32 @!p0 s2, s3  }
0x2e: {  	s2 =	sadd.s32 @!p0 $0xFFFE7A60, s0;
	s3 =	sadd.s32 @!p0 $0xFFFFFF00, s1  }
0x2f: {  	s0 =	ssub.s32 @!p0 $0x186A0, s0;
	p1 =	sgt.s32 @!p0 s2, $0xFF;
	p2 =	sgt.s32 @!p0 s3, $0x7F  }
0x30: {  	s1 =	ssub.s32 @!p0 $0x180, s1;
	p1 =	por !p1, p0;
	p2 =	por !p2, p0  }
0x31: {  	s0 =	simm.s32 @!p1 $0x0;
	s1 =	simm.s32 @!p2 $0x0  }
0x32: {  	s0 =	smul.u32 @!p0 s1, s0;
	_ =	sdelay $0x1  }
0x33: {  	s4 =	smov.u32 s12;
	s0 =	sshrl.u32 @!p0 s0, $0x1  }
0x34: {  	s2 =	simm.s32 @!p0 $0x2;
	s1 =	sadd.s32 $0x2000, s9;
	s0 =	sand.u32 @!p0 $0x3FFFFFFF, s0  }
0x35: {  	s3 =	sadd.s32 $0x80, s12;
	p1 =	sgt.s32 s1, $0x1869F;
	_ =	swait.ge @!p0 [sflag:s2], s0  }
0x36: {  	s4 =	smov.u32 @p1 s3;
	s3 =	rddreg [dreg:$0x2]  }
0x37: {  	s1 =	smov.u32 @p1 s3;
	p1 =	sgt.s32 s4, $0x13F  }
0x38: {  	s4 =	simm.s32 @p1 $0x0;
	p1 =	sne.s32 s11, s7  }
.Ltmp1:
0x39: {  	_ = 	snop;
	(pc) =	sbr.rel @!p1 .LBB1_14-.Ltmp1, $4  }
0x3a: {  	s14 =	smov.u32 s8  }
0x3b: {  	s13 =	smov.u32 s10;
	s0 =	ssub.s32 @!p0 $0x0, s0;
	[sflag:s2] =	ssyncset.done @!p0 $0x0  }
0x3c: {  	s8 =	smov.u32 s9;
	s10 =	smov.u32 s12;
	[sflag:s2] =	ssyncadd.s32 @!p0 s0  }
0x3d: {  	s11 =	sadd.s32 $0x1, s11;
	s9 =	smov.u32 s1;
	s12 =	smov.u32 s4  }
.LBB1_1:
0x3e: {  	s0 =	rddreg [dreg:$0x5]  }
0x3f: {  	p0 =	sge.u32 s11, s0  }
0x40: {  	s5 =	smov.u32 s9;
	s0 =	sshrl.u32 @!p0 s12, $0x3  }
0x41: {  	s1 =	sand.u32 @!p0 $0x1, s12;
	s2 =	sshll.u32 @!p0 s9, $0x3;
	s3 =	sshll.u32 @!p0 s12, $0x7  }
0x42: {  	s4 =	sshll.u32 @!p0 s9, $0x1;
	p1 =	sgt.s32 @!p0 s12, $0xC0;
	s0 =	smul.u32 @!p0 $0xC3800, s0  }
0x43: {  	s6 =	sshra.s32 @!p0 s9, $0x1F;
	s2 =	sand.u32 @!p0 $0xFFFFFC00, s2;
	p1 =	por !p1, p0  }
0x44: {  	s0 =	sadd.s32 @!p0 s0, s2;
	s2 =	sand.u32 @!p0 $0x300, s3;
	s3 =	sand.u32 @!p0 $0xFE, s4  }
0x45: {  	s4 =	sshra.s32 @!p0 s12, $0x1F;
	s0 =	sor.u32 @!p0 s2, s0;
	s1 =	sor.u32 @!p0 s1, s3  }
0x46: {  	s3 =	smov.u32 s12;
	s4 =	sand.u32 @!p0 s4, s12;
	s1 =	sor.u32 @!p0 s0, s1  }
0x47: {  	s0 =	smulhi.u32 @!p0 $0xA79C7B17, s0;
	s3 =	simm.s32 @p1 $0xC0;
	p1 =	sgt.s32 @!p0 s9, $0x18600  }
0x48: {  	s2 =	smulhi.u32 @!p0 $0xA79C7B17, s1;
	p1 =	por !p1, p0;
	s3 =	ssub.s32 @!p0 s3, s4  }
0x49: {  	s4 =	sand.u32 @!p0 s6, s9;
	s5 =	simm.s32 @p1 $0x18600;
	s0 =	sshrl.u32 @!p0 s0, $0x10  }
0x4a: {  	s6 =	sadd.s32 @!p0 $0xFFFFFF40, s3;
	s3 =	ssub.s32 @!p0 $0x140, s3;
	s4 =	ssub.s32 @!p0 s5, s4  }
0x4b: {  	s5 =	smul.u32 @!p0 $0xCCCD, s0;
	p1 =	sgt.s32 @!p0 s6, $0x7F;
	s2 =	sshrl.u32 @!p0 s2, $0x10  }
0x4c: {  	s6 =	sadd.s32 @!p0 $0xFFFE7A00, s4;
	p1 =	por !p1, p0;
	s4 =	ssub.s32 @!p0 $0x18700, s4  }
0x4d: {  	s2 =	smul.u32 @!p0 $0x18700, s2;
	p2 =	sgt.s32 @!p0 s6, $0xFF;
	s5 =	sshrl.u32 @!p0 s5, $0x18  }
0x4e: {  	s3 =	simm.s32 @!p1 $0x0;
	s5 =	smul.u32 @!p0 $0x140, s5;
	p1 =	por !p2, p0  }
0x4f: {  	s4 =	simm.s32 @!p1 $0x0  }
0x50: {  	s1 =	ssub.s32 @!p0 s1, s2;
	s0 =	ssub.s32 @!p0 s0, s5;
	s3 =	smul.u32 @!p0 s3, s4  }
0x51: {  	s4 =	sxor.u32 @!p0 $0xFFFFFFFF, s11;
	s5 =	rddreg [dreg:$0x3];
	s0 =	sand.u32 @!p0 $0xFFFF, s0  }
0x52: {  	s2 =	sshrl.u32 @!p0 s3, $0x1;
	s0 =	smul.u32 @!p0 $0x1870, s0;
	s3 =	sshrl.u32 @!p0 s1, $0x4  }
0x53: {  	s1 =	sshll.u32 @!p0 s1, $0x11;
	s2 =	sand.u32 @!p0 $0x3FFFFFFF, s2;
	s3 =	sadd.s32 @!p0 s5, s3  }
0x54: {  	s1 =	sand.u32 @!p0 $0x1C0000, s1;
	s0 =	sadd.s32 @!p0 s0, s3;
	s3 =	sshll.u32 @!p0 s4, $0xE  }
0x55: {  	s1 =	sor.u32 @!p0 $0x400, s1;
	s4 =	simm.s32 @!p0 $0x61C00;
	s3 =	sand.u32 @!p0 $0x4000, s3  }
0x56: {  	[tilespmem:s3], [sflag:$0x1] =	stream.strided.gather @!p0 [hbm4b:s0+s1], s2, s4, s1, $0x38;
	[tilespmem:$0x10100] =	vst v63  }
0x57: {  	p0 =	seq.s32 s11, $0x0  }
0x58: {  	p1 =	sge.u32 @!p0 s11, s7  }
0x59: {  	p0 =	por p0, p1  }
.Ltmp2:
0x5a: {  	_ = 	snop;
	(pc) =	sbr.rel @p0 .LBB1_13-.Ltmp2, $1  }
0x5b: {  	_ =	sdelay $0x3  }
0x5c: {  	[dreg:$0xc] =	wrdreg s14  }
0x5d: {  	[dreg:$0xb] =	wrdreg s13  }
0x5e: {  	s0 =	ssub.s32 $0x0, s10;
	s1 =	sshra.s32 s10, $0x1F;
	p0 =	sgt.s32 s10, $0xC0  }
0x5f: {  	s2 =	smov.u32 s10;
	s24 =	ssub.s32 $0x0, s8;
	s25 =	sshra.s32 s8, $0x1F  }
0x60: {  	s3 =	smov.u32 s8;
	s4 =	sand.u32 s0, s1;
	s2 =	simm.s32 @!p0 $0xC0  }
0x61: {  	p0 =	sgt.s32 s8, $0x18600;
	s1 =	sand.u32 s24, s25;
	s2 =	sadd.s32 s4, s2  }
0x62: {  	s3 =	simm.s32 @!p0 $0x18600;
	[dreg:$0xf] =	wrdreg s1;
	s26 =	sadd.s32 $0xFFFFFF40, s2  }
0x63: {  	s1 =	sadd.s32 s1, s3;
	s2 =	ssub.s32 $0x140, s2;
	p0 =	sgt.s32 s26, $0x7F  }
0x64: {  	s27 =	sadd.s32 $0xFFFE7A00, s1;
	s0 =	ssub.s32 $0x18700, s1;
	s1 =	sadd.s32 $0x80, s10  }
0x65: {  	p1 =	sgt.s32 s27, $0xFF;
	s2 =	simm.s32 @p0 $0x0;
	p0 =	slt.s32 s1, $0x140  }
0x66: {  	[dreg:$0x8] =	wrdreg s9;
	s0 =	simm.s32 @p1 $0x0;
	s1 =	simm.s32 @!p0 $0x140  }
0x67: {  	[dreg:$0x7] =	wrdreg s8;
	s0 =	smul.u32 s2, s0;
	s19 =	ssub.s32 s1, s10  }
0x68: {  	[dreg:$0xa] =	wrdreg s11;
	s28 =	simm.s32 $0x1;
	p0 =	slt.s32 s19, $0x1  }
.Ltmp3:
0x69: {  	s2 =	sshrl.u32 s0, $0x1;
	s0 =	sand.u32 $0x1, s11;
	(pc) =	sbr.rel @p0 .LBB1_12-.Ltmp3, $4  }
0x6a: {  	[dreg:$0xd] =	wrdreg s4;
	s2 =	sand.u32 $0x3FFFFFFF, s2;
	s29 =	smul.u32 $0x8100, s0  }
0x6b: {  	_ =	swait.ge [sflag:s28], s2;
	[dreg:$0x9] =	wrdreg s10  }
0x6c: {  	s30 =	ssub.s32 $0x0, s2;
	[sflag:s28] =	ssyncset.done $0x0;
	s31 =	sshrl.u32 s29, $0x1  }
0x6d: {  	[sflag:s28] =	ssyncadd.s32 s30;
	[dreg:$0xe] =	wrdreg s31  }
0x6e: {  	s2 =	rddreg [dreg:$0x7]  }
0x6f: {  	s1 =	sadd.s32 $0x100, s2  }
0x70: {  	s22 =	sshll.u32 s0, $0xE;
	s30 =	rddreg [dreg:$0xe];
	p0 =	slt.s32 s1, $0x186A0  }
.Ltmp4:
0x71: {  	s25 =	simm.s32 $0x0;
	v0 =	vmov s22;
	s1 =	simm.s32 @!p0 $0x186A0;
	(pc) =	sbr.rel .LBB1_4-.Ltmp4, $4  }
0x72: {  	s26 =	simm.s32 $0x0;
	s27 =	simm.s32 $0x0;
	s1 =	ssub.s32 s1, s2  }
0x73: {  	s23 =	sor.u32 $0x8000, s30;
	s2 =	sadd.s32 $0xF, s1;
	s1 =	sadd.s32 $0x1F, s1  }
0x74: {  	s20 =	sand.u32 $0xFFFFFFF0, s2;
	s21 =	sand.u32 $0xFFFFFF00, s1;
	s31 =	sshll.u32 s1, $0x3  }
0x75: {  	p0 =	slt.s32 s1, $0x100;
	s24 =	sand.u32 $0xFFFFF800, s31;
	p1 =	sge.s32 s21, s20  }
.LBB1_11:
0x76: {  	s27 =	sadd.s32 $0x2, s27  }
0x77: {  	p2 =	slt.s32 s27, s19  }
.Ltmp5:
0x78: {  	_ = 	snop;
	(pc) =	sbr.rel @!p2 .LBB1_12-.Ltmp5, $2  }
0x79: {  	_ =	sdelay $0x2  }
0x7a: {  	s26 =	sadd.s32 $0x200, s26;
	s25 =	sadd.s32 $0x100, s25  }
.LBB1_4:
.Ltmp6:
0x7b: {  	(pc) =	sbr.rel @p0 .LBB1_8-.Ltmp6, $2  }
0x7c: {  	_ =	sdelay $0x2  }
0x7d: {  	s28 =	sand.u32 $0x7E, s27  }
0x7e: {  	s0 =	sand.u32 $0xFFFFF800, s26;
	s1 =	sand.u32 $0x300, s25  }
0x7f: {  	s13 =	sor.u32 s1, s0  }
0x80: {  	s11 =	sshrl.u32 s13, $0x1  }
0x81: {  	s9 =	sadd.s32 $0x400, s13;
	s18 =	sand.u32 $0x3D80, s11  }
0x82: {  	s9 =	sshrl.u32 s9, $0x1;
	v1 =	vld.idx.msk [tilespmem:v0+s18+$0x0 ss:$0x1], $0xffff  }
0x83: {  	s9 =	sand.u32 $0x3F80, s9;
	v7 =	vld.idx.msk [tilespmem:v0+s18+$0x10 ss:$0x1], $0xffff  }
0x84: {  	v2 =	vld.idx.msk [tilespmem:v0+s9+$0x60 ss:$0x1], $0xffff  }
0x85: {  	v3 =	vld.idx.msk [tilespmem:v0+s9+$0x70 ss:$0x1], $0xffff  }
0x86: {  	v4 =	vld.idx.msk [tilespmem:v0+s9+$0x0 ss:$0x1], $0xffff  }
0x87: {  	v5 =	vld.idx.msk [tilespmem:v0+s9+$0x10 ss:$0x1], $0xffff  }
0x88: {  	v8 =	vld.idx.msk [tilespmem:v0+s9+$0x20 ss:$0x1], $0xffff  }
0x89: {  	s3 =	sadd.s32 s28, s23;
	p2 =	sgt.s32 s21, $0x100;
	v9 =	vld.idx.msk [tilespmem:v0+s9+$0x30 ss:$0x1], $0xffff  }
0x8a: {  	s5 =	sadd.s32 $0x1, s3;
	s8 =	sadd.s32 $0x810, s3;
	s0 =	sadd.s32 $0x811, s3;
	v13 =	vld.idx.msk [tilespmem:v0+s9+$0x40 ss:$0x1], $0xffff;
	v3 =	vperm.xlane.i2c.b16 v3;
	v10 =	vperm.xlane.i2c.b16 v2  }
.Ltmp7:
0x8b: {  	s31 =	sadd.s32 $0x1020, s3;
	s1 =	sadd.s32 $0x1021, s3;
	v6 =	vld.idx.msk [tilespmem:v0+s9+$0x50 ss:$0x1], $0xffff;
	v1 =	vperm.xlane.i2c.b16 v1;
	v11 =	vperm.xlane.i2c.b16 v4;
	(pc) =	sbr.rel @!p2 .LBB1_7-.Ltmp7, $4  }
0x8c: {  	s29 =	sadd.s32 $0x1830, s3;
	s30 =	sadd.s32 $0x1831, s3;
	s16 =	sadd.s32 $0x2040, s3;
	v4 =	vld.idx.msk [tilespmem:v0+s18+$0x20 ss:$0x1], $0xffff;
	v14 =	vperm.xlane.i2c.b16 v5;
	v5 =	vcombine.low v10, v3  }
0x8d: {  	s17 =	sadd.s32 $0x2041, s3;
	s7 =	sadd.s32 $0x2850, s3;
	s14 =	sadd.s32 $0x3870, s3;
	v2 =	vld.idx.msk [tilespmem:v0+s18+$0x30 ss:$0x1], $0xffff;
	v8 =	vperm.xlane.i2c.b16 v8;
	v15 =	vcombine.high v10, v3  }
0x8e: {  	s2 =	sadd.s32 $0x2851, s3;
	s6 =	sadd.s32 $0x3060, s3;
	s15 =	sadd.s32 $0x3871, s3;
	v3 =	vld.idx.msk [tilespmem:v0+s18+$0x40 ss:$0x1], $0xffff;
	v12 =	vcombine.low v11, v14;
	v10 =	vperm.xlane.i2c.b16 v9;
	[tilespmem:s14+$0x0 ss:$0x81] =	vst.msk $0xffff, v5  }
0x8f: {  	s4 =	sadd.s32 $0x3061, s3;
	s13 =	sadd.s32 $0x800, s13;
	s11 =	simm.s32 $0x100;
	v11 =	vcombine.high v11, v14;
	v9 =	vperm.xlane.i2c.b16 v13;
	v5 =	vld.idx.msk [tilespmem:v0+s18+$0x50 ss:$0x1], $0xffff;
	[tilespmem:s15+$0x0 ss:$0x81] =	vst.msk $0xffff, v15  }
.LBB1_6:
0x90: {  	s9 =	sshrl.u32 s13, $0x1;
	s10 =	sadd.s32 $0x400, s13;
	v13 =	vld.idx.msk [tilespmem:v0+s18+$0x60 ss:$0x1], $0xffff;
	[tilespmem:s16+$0x0 ss:$0x81] =	vst.msk $0xffff, v12;
	v12 =	vcombine.low v8, v10;
	v6 =	vperm.xlane.i2c.b16 v6  }
0x91: {  	v7 =	vperm.xlane.i2c.b16 v7;
	v8 =	vcombine.high v8, v10;
	s10 =	sshrl.u32 s10, $0x1;
	v14 =	vld.idx.msk [tilespmem:v0+s18+$0x70 ss:$0x1], $0xffff;
	s18 =	sand.u32 $0x3D80, s9;
	[tilespmem:s17+$0x0 ss:$0x81] =	vst.msk $0xffff, v11  }
0x92: {  	s11 =	sadd.s32 $0x100, s11;
	v4 =	vperm.xlane.i2c.b16 v4;
	v10 =	vld.idx.msk [tilespmem:v0+s18+$0x0 ss:$0x1], $0xffff;
	s9 =	sand.u32 $0x3F80, s10;
	[tilespmem:s7+$0x0 ss:$0x81] =	vst.msk $0xffff, v12;
	v11 =	vcombine.low v9, v6  }
0x93: {  	p2 =	slt.s32 s11, s21;
	v2 =	vperm.xlane.i2c.b16 v2;
	v6 =	vcombine.high v9, v6;
	v12 =	vld.idx.msk [tilespmem:v0+s9+$0x60 ss:$0x1], $0xffff;
	[tilespmem:s2+$0x0 ss:$0x81] =	vst.msk $0xffff, v8  }
0x94: {  	v9 =	vcombine.low v1, v7;
	v3 =	vperm.xlane.i2c.b16 v3;
	v8 =	vld.idx.msk [tilespmem:v0+s9+$0x70 ss:$0x1], $0xffff;
	[tilespmem:s6+$0x0 ss:$0x81] =	vst.msk $0xffff, v11  }
0x95: {  	v1 =	vcombine.high v1, v7;
	v5 =	vperm.xlane.i2c.b16 v5;
	v11 =	vld.idx.msk [tilespmem:v0+s9+$0x0 ss:$0x1], $0xffff;
	[tilespmem:s4+$0x0 ss:$0x81] =	vst.msk $0xffff, v6  }
0x96: {  	v6 =	vcombine.low v4, v2;
	v15 =	vld.idx.msk [tilespmem:v0+s9+$0x10 ss:$0x1], $0xffff;
	[tilespmem:s3+$0x0 ss:$0x81] =	vst.msk $0xffff, v9;
	v9 =	vperm.xlane.i2c.b16 v13  }
0x97: {  	v2 =	vcombine.high v4, v2;
	v4 =	vperm.xlane.i2c.b16 v14;
	v13 =	vld.idx.msk [tilespmem:v0+s9+$0x20 ss:$0x1], $0xffff;
	[tilespmem:s5+$0x0 ss:$0x81] =	vst.msk $0xffff, v1  }
0x98: {  	v7 =	vcombine.low v3, v5;
	v1 =	vperm.xlane.i2c.b16 v10;
	v10 =	vld.idx.msk [tilespmem:v0+s9+$0x30 ss:$0x1], $0xffff;
	[tilespmem:s8+$0x0 ss:$0x81] =	vst.msk $0xffff, v6  }
0x99: {  	v14 =	vld.idx.msk [tilespmem:v0+s9+$0x40 ss:$0x1], $0xffff;
	[tilespmem:s0+$0x0 ss:$0x81] =	vst.msk $0xffff, v2;
	v2 =	vcombine.high v3, v5;
	v3 =	vcombine.low v9, v4  }
0x9a: {  	v12 =	vperm.xlane.i2c.b16 v12;
	v5 =	vperm.xlane.i2c.b16 v8;
	v6 =	vld.idx.msk [tilespmem:v0+s9+$0x50 ss:$0x1], $0xffff;
	[tilespmem:s31+$0x0 ss:$0x81] =	vst.msk $0xffff, v7  }
.Ltmp8:
0x9b: {  	v9 =	vcombine.high v9, v4;
	v11 =	vperm.xlane.i2c.b16 v11;
	v7 =	vld.idx.msk [tilespmem:v0+s18+$0x10 ss:$0x1], $0xffff;
	[tilespmem:s1+$0x0 ss:$0x81] =	vst.msk $0xffff, v2;
	(pc) =	sbr.rel @p2 .LBB1_6-.Ltmp8, $4  }
0x9c: {  	v15 =	vperm.xlane.i2c.b16 v15;
	v16 =	vcombine.low v12, v5;
	v4 =	vld.idx.msk [tilespmem:v0+s18+$0x20 ss:$0x1], $0xffff;
	[tilespmem:s29+$0x0 ss:$0x81] =	vst.msk $0xffff, v3  }
0x9d: {  	v8 =	vperm.xlane.i2c.b16 v13;
	v13 =	vcombine.high v12, v5;
	v2 =	vld.idx.msk [tilespmem:v0+s18+$0x30 ss:$0x1], $0xffff;
	[tilespmem:s30+$0x0 ss:$0x81] =	vst.msk $0xffff, v9  }
0x9e: {  	v12 =	vcombine.low v11, v15;
	v10 =	vperm.xlane.i2c.b16 v10;
	v3 =	vld.idx.msk [tilespmem:v0+s18+$0x40 ss:$0x1], $0xffff;
	[tilespmem:s14+$0x0 ss:$0x81] =	vst.msk $0xffff, v16  }
0x9f: {  	s13 =	sadd.s32 $0x800, s13;
	v11 =	vcombine.high v11, v15;
	v9 =	vperm.xlane.i2c.b16 v14;
	v5 =	vld.idx.msk [tilespmem:v0+s18+$0x50 ss:$0x1], $0xffff;
	[tilespmem:s15+$0x0 ss:$0x81] =	vst.msk $0xffff, v13  }
.LBB1_7:
0xa0: {  	_ =	sdelay $0x1  }
0xa1: {  	[tilespmem:s16+$0x0 ss:$0x81] =	vst.msk $0xffff, v12;
	v55 =	vcombine.low v8, v10;
	v6 =	vperm.xlane.i2c.b16 v6  }
0xa2: {  	v56 =	vcombine.high v8, v10;
	v7 =	vperm.xlane.i2c.b16 v7;
	[tilespmem:s17+$0x0 ss:$0x81] =	vst.msk $0xffff, v11  }
0xa3: {  	v57 =	vld.idx.msk [tilespmem:v0+s18+$0x60 ss:$0x1], $0xffff;
	[tilespmem:s7+$0x0 ss:$0x81] =	vst.msk $0xffff, v55;
	v58 =	vcombine.low v9, v6  }
0xa4: {  	v59 =	vld.idx.msk [tilespmem:v0+s18+$0x70 ss:$0x1], $0xffff;
	v4 =	vperm.xlane.i2c.b16 v4;
	v60 =	vcombine.low v1, v7;
	[tilespmem:s2+$0x0 ss:$0x81] =	vst.msk $0xffff, v56  }
0xa5: {  	v6 =	vcombine.high v9, v6;
	v2 =	vperm.xlane.i2c.b16 v2;
	[tilespmem:s6+$0x0 ss:$0x81] =	vst.msk $0xffff, v58  }
0xa6: {  	v1 =	vcombine.high v1, v7;
	v3 =	vperm.xlane.i2c.b16 v3;
	[tilespmem:s3+$0x0 ss:$0x81] =	vst.msk $0xffff, v60  }
0xa7: {  	v5 =	vperm.xlane.i2c.b16 v5;
	v61 =	vcombine.low v4, v2;
	[tilespmem:s4+$0x0 ss:$0x81] =	vst.msk $0xffff, v6  }
0xa8: {  	v62 =	vperm.xlane.i2c.b16 v57;
	[tilespmem:s5+$0x0 ss:$0x81] =	vst.msk $0xffff, v1;
	v1 =	vcombine.high v4, v2  }
0xa9: {  	v2 =	vperm.xlane.i2c.b16 v59;
	[tilespmem:s8+$0x0 ss:$0x81] =	vst.msk $0xffff, v61;
	v63 =	vcombine.low v3, v5  }
0xaa: {  	[tilespmem:s0+$0x0 ss:$0x81] =	vst.msk $0xffff, v1;
	v1 =	vcombine.high v3, v5  }
0xab: {  	v3 =	vcombine.low v62, v2;
	[tilespmem:s31+$0x0 ss:$0x81] =	vst.msk $0xffff, v63  }
0xac: {  	[tilespmem:s1+$0x0 ss:$0x81] =	vst.msk $0xffff, v1;
	v1 =	vcombine.high v62, v2  }
0xad: {  	[tilespmem:s29+$0x0 ss:$0x81] =	vst.msk $0xffff, v3  }
0xae: {  	[tilespmem:s30+$0x0 ss:$0x81] =	vst.msk $0xffff, v1  }
.LBB1_8:
.Ltmp9:
0xaf: {  	(pc) =	sbr.rel @p1 .LBB1_11-.Ltmp9, $1  }
0xb0: {  	_ =	sdelay $0x3  }
0xb1: {  	s0 =	sshll.u32 s27, $0x8;
	s1 =	sshll.u32 s27, $0x7  }
0xb2: {  	s2 =	smov.u32 s24;
	s0 =	sand.u32 $0x7800, s0;
	s1 =	sand.u32 $0x300, s1  }
0xb3: {  	s3 =	smov.u32 s21;
	s0 =	sor.u32 s1, s0;
	s1 =	sadd.s32 s28, s23  }
.LBB1_10:
0xb4: {  	s4 =	sand.u32 $0x7C00, s2  }
0xb5: {  	s4 =	sadd.s32 s0, s4  }
0xb6: {  	s4 =	sshrl.u32 s4, $0x1  }
0xb7: {  	s4 =	sand.u32 $0x3F80, s4  }
0xb8: {  	s5 =	sand.u32 $0x60, s3;
	s4 =	sadd.s32 s4, s22  }
0xb9: {  	s4 =	sadd.s32 s5, s4  }
0xba: {  	v1 =	vld [tilespmem:s4+$0x0]  }
0xbb: {  	v2 =	vld [tilespmem:s4+$0x10];
	_ =	sdelay $0x3  }
0xbc: {  	s31 =	sand.u32 $0xE0, s3;
	s3 =	sadd.s32 $0x20, s3  }
0xbd: {  	p2 =	slt.s32 s3, s20;
	s4 =	smul.u32 $0x102, s31;
	v2 =	vperm.xlane.i2c.b16 v2;
	v1 =	vperm.xlane.i2c.b16 v1  }
.Ltmp10:
0xbe: {  	_ = 	snop;
	(pc) =	sbr.rel @p2 .LBB1_10-.Ltmp10, $4  }
0xbf: {  	s4 =	sshrl.u32 s4, $0x2;
	v3 =	vcombine.low v1, v2  }
0xc0: {  	s4 =	sadd.s32 s4, s1;
	v1 =	vcombine.high v1, v2  }
0xc1: {  	[tilespmem:s4+$0x0 ss:$0x81] =	vst.msk $0xffff, v3  }
0xc2: {  	s2 =	sadd.s32 $0x100, s2;
	[tilespmem:s4+$0x1 ss:$0x81] =	vst.msk $0xffff, v1  }
.Ltmp11:
0xc3: {  	_ = 	snop;
	(pc) =	sbr.rel .LBB1_11-.Ltmp11, $1  }
0xc4: {  	_ =	sdelay $0x3  }
.LBB1_14:
0xc5: {  	_ =	sfence.sel $0x180000  }
0xc6: {  	s0 =	simm.s32 $0x1;
	[bflag:$0x0] =	sbarrier.arrive $0xFFFF  }
0xc7: {  	s30 =	simm.s32 $0x2;
	[sflag:s0] =	ssyncpa.u1 $0x1  }
0xc8: {  	[sflag:s30] =	ssyncpa.u1 $0x1  }
0xc9: {  	_ =	strace $0x90000047  }
0xca: {  	s31 =	stileid.u32;
	[bflag:$0x2] =	sbarrier.arrive $0xFFFF  }
0xcb: {  	p0 =	sne.s32 s31, $0x0;
	s0 =	rddreg [dreg:$0x1]  }
0xcc: {  	s0 =	sadd.s32 @!p0 $0x100000, s0  }
0xcd: {  	[sflag:s0] =	ssyncadd.tile.s32 @!p0 $0x1;
	_ =	shalt  }
.Lfunc_end1:
_tile_overlayer_lowered:
.L_overlay_start_2:
0xce: {  	(tag) =	ssettag $0x2  }
0xcf: {  	s0 =	rddreg [dreg:$0x0];
	s2 =	stileid.u32  }
0xd0: {  	s1 =	rddreg [dreg:$0x1];
	p0 =	sne.s32 s2, $0x0  }
0xd1: {  	s3 =	rddreg [dreg:$0x2];
	[bflag:$0x3] =	sbarrier.arrive $0xFFFF;
	s2 =	simm.s32 @!p0 $0x1C01  }
0xd2: {  	[timem:s3], [sflag:s2] =	dma.local @!p0 [hbm:s0], s1  }
0xd3: {  	s0 =	simm.s32 @!p0 $0x1  }
0xd4: {  	_ =	swait.ge @!p0 [sflag:s0], s1  }
0xd5: {  	s1 =	ssub.s32 @!p0 $0x0, s1;
	[sflag:s0] =	ssyncset.done @!p0 $0x0  }
0xd6: {  	[sflag:s0] =	ssyncadd.s32 @!p0 s1  }
0xd7: {  	[bflag:$0x3] =	sbarrier.arrive $0xFFFF  }
0xd8: {  	_ =	shalt  }

// kernel: sparse-core-data-format-call.cloned.1.call-start
scs
called_computation_lowered:
.L_overlay_start_0:
0x0: {  	s2 =	sld [smem:$0x3FD9]  }
0x1: {  	s3 =	sld [smem:$0x3FFE];
	_ =	sdelay $0x1  }
0x2: {  	s1 =	srdreg.scid  }
0x3: {  	s0 =	sand.u32 $0x1, s1  }
0x4: {  	s18 =	sshll.u32 s0, $0xA;
	s2 =	sadd.s32 s3, s2  }
0x5: {  	s2 =	sadd.s32 s2, s18  }
0x6: {  	[smem:$0x3FC5] =	sst s2  }
0x7: {  	_ = 	snop  }
0x8: {  	s2 =	sld [smem:$0x3FD0];
	(tm) =	ssettm $0x1  }
0x9: {  	s19 =	sld [smem:$0x3FFB];
	_ =	sdelay $0x3  }
0xa: {  	_ =	strace s19  }
0xb: {  	s3 =	sld [smem:$0x3FFC];
	_ =	sdelay $0x3  }
0xc: {  	_ =	strace s3  }
0xd: {  	s3 =	sld [smem:$0x3FFD];
	_ =	sdelay $0x3  }
0xe: {  	_ =	strace s3  }
0xf: {  	_ =	strace $0x8FFFFFFF  }
0x10: {  	s20 =	sld [smem:$0x3FDB];
	_ =	sdelay $0x1  }
0x11: {  	s4 =	simm.s32 $_scs_section_size  }
0x12: {  	s5 =	simm.s32 $_size__tile_overlayer_lowered;
	s6 =	simm.s32 $_tile_overlayer_lowered  }
0x13: {  	s23 =	simm.s32 $0x1BFF;
	s22 =	sshll.u32 s6, $0x1;
	s3 =	sadd.s32 s4, s20  }
0x14: {  	s7 =	simm.s32 $0x0;
	s21 =	sshll.u32 s5, $0x1;
	s5 =	sadd.s32 s22, s3  }
0x15: {  	[timem:s7], [sflag:s23] =	dma.local [hbm:s5], s21  }
0x16: {  	_ =	swait.ge [sflag:s23], s21  }
0x17: {  	s4 =	ssub.s32 $0x0, s21;
	[sflag:s23] =	ssyncset.done $0x0  }
0x18: {  	[sflag:s23] =	ssyncadd.s32 s4;
	_ =	sdelay $0x1  }
0x19: {  	s24 =	simm.s32 $0x1B8B  }
0x1a: {  	_ =	swait.ge [sflag:s24], $0x1  }
0x1b: {  	[sflag:s24] =	ssyncset.done $0x0  }
0x1c: {  	s26 =	simm.s32 $0x1B8E;
	s25 =	sld [smem:$0x3FFE];
	[sflag:s24] =	ssyncadd.s32 $0xFFFFFFFF  }
0x1d: {  	s27 =	simm.s32 $execute0_lowered;
	[smem:$0x3FD2] =	sst s26  }
0x1e: {  	s5 =	sshll.u32 s27, $0x1;
	_ =	strace $0x8000004F;
	[dreg:$0x1] =	wrdreg $0xFFFFFFFF  }
0x1f: {  	s28 =	simm.s32 $_size_execute0_lowered;
	s3 =	sadd.s32 s3, s5;
	[dreg:$0x0] =	wrdreg $0x0  }
0x20: {  	s5 =	sshll.u32 s28, $0x1;
	[dreg:$0x2] =	wrdreg s3  }
0x21: {  	[dreg:$0x3] =	wrdreg s5  }
0x22: {  	[dreg:$0x4] =	wrdreg $0xC0  }
0x23: {  	_ =	task [dreg:s7], $0x5FFFF  }
0x24: {  	[dreg:$0x1] =	wrdreg $0xFFFFFFFF  }
0x25: {  	[dreg:$0x0] =	wrdreg $0x60  }
0x26: {  	[dreg:$0x2] =	wrdreg s25  }
0x27: {  	[dreg:$0x3] =	wrdreg s2  }
0x28: {  	[dreg:$0x4] =	wrdreg $0x9  }
0x29: {  	_ =	task.clear_ibuf [dreg:s7], $0x5FFFF;
	_ =	strace $0x9000004F  }
0x2a: {  	s29 =	simm.s32 $0x9;
	_ =	strace $0x80000051  }
0x2b: {  	_ =	swait.ge [sflag:s29], $0x1  }
0x2c: {  	[sflag:s29] =	ssyncadd.s32 $0xFFFFFFFF  }
0x2d: {  	_ =	strace $0x90000051  }
0x2e: {  	_ =	sfence  }
0x2f: {  	s30 =	sld [smem:$0x0];
	_ =	sdelay $0x2  }
0x30: {  	s31 =	sshll.u32 s1, $0xD;
	s1 =	sshrl.u32 s1, $0x2  }
0x31: {  	s3 =	sand.u32 $0x4000, s31;
	s1 =	sadd.s32 s1, s30  }
0x32: {  	s0 =	sor.u32 s3, s0;
	s1 =	sshll.u32 s1, $0x11  }
0x33: {  	s0 =	sor.u32 s1, s0  }
0x34: {  	s0 =	sadd.s32 $0x8F2B, s0  }
0x35: {  	[sflag:s0] =	ssyncadd.remote.s32 $0x1  }
0x36: {  	_ =	sfence.sel $0xFFFF  }
0x37: {  	[dreg:$0x0] =	wrdreg $0xFFFFFFFF;
	(pc) =	sbr.abs _section_cstart, $3  }
0x38: {  	[dreg:$0x1] =	wrdreg $0xFFFFFFFF  }
0x39: {  	_ =	task.clear_ibuf [dreg:s7], $0x2FFFF;
	_ =	strace $0x9FFFFFFF  }
0x3a: {  	(tm) =	ssettm $0x7FFFFFFF  }
0x3b: {  	_ =	shalt  }
tec
execute0_lowered:
.L_overlay_start_1:
0x0: {  	(tag) =	ssettag $0x1  }
0x1: {  	s0 =	stileid.u32;
	s6 =	rddreg [dreg:$0x0]  }
0x2: {  	s2 =	rddreg [dreg:$0x1];
	s5 =	srdreg.scid  }
0x3: {  	s31 =	simm.s32 $0x2;
	s13 =	simm.s32 $0x0;
	s1 =	sshll.u32 s0, $0x7  }
0x4: {  	s14 =	simm.s32 $0x0;
	s12 =	simm.s32 $0x0;
	s3 =	sand.u32 $0x380, s1  }
0x5: {  	s5 =	sshll.u32 s5, $0x4;
	s6 =	sadd.s32 $0x1A3200, s6;
	s4 =	ssub.s32 $0x400, s3  }
0x6: {  	s1 =	rddreg [dreg:$0x2];
	_ =	strace $0x80000050;
	s7 =	sand.u32 $0x380, s4  }
0x7: {  	s5 =	sand.u32 $0x10, s5;
	p0 =	sne.s32 s7, $0x0;
	s7 =	simm.s32 $0x1  }
.Ltmp0:
0x8: {  	s8 =	sshrl.u32 s4, $0xA;
	s7 =	simm.s32 @!p0 $0x0;
	(pc) =	sbr.rel .LBB1_1-.Ltmp0, $4  }
0x9: {  	s9 =	sor.u32 s0, s5;
	s4 =	simm.s32 $0x1;
	s30 =	sadd.s32 s7, s8  }
0xa: {  	s11 =	smov.u32 s3;
	[sflag:s4] =	ssyncpa.u1 $0x0;
	s5 =	smul.u32 $0x31, s30  }
0xb: {  	[sflag:s31] =	ssyncpa.u1 $0x0;
	p0 =	por $0x0, $0x0;
	s7 =	sshrl.u32 s9, $0x3  }
0xc: {  	s9 =	simm.s32 $0x2000;
	s10 =	smov.u32 s7;
	s8 =	sadd.s32 $0x1, s5  }
.LBB1_4:
0xd: {  	s17 =	sand.u32 $0x1F80, s14;
	s13 =	sshll.u32 s13, $0xD  }
0xe: {  	[tilespmem:s16+$0x810 ss:$0x81] =	vst.msk $0xffff, v2;
	s18 =	sshrl.u32 s14, $0x3;
	s31 =	sand.u32 $0x7, s14;
	s17 =	sadd.s32 s2, s17  }
0xf: {  	[tilespmem:s16+$0x1020 ss:$0x81] =	vst.msk $0xffff, v0;
	s18 =	sand.u32 $0xF, s18;
	s14 =	sshll.u32 s31, $0x12;
	s13 =	sadd.s32 s13, s17  }
0x10: {  	[tilespmem:s16+$0x0 ss:$0x81] =	vst.msk $0xffff, v1;
	s14 =	sor.u32 $0x400, s14;
	s13 =	sadd.s32 s18, s13  }
0x11: {  	[hbm4b:s13+s14] =	stream.strided.scatter [tilespmem:s15], [sflag:$0x2], $0x2000, s9, s14, $0x20;
	[tilespmem:$0x8080] =	vst v63  }
.LBB1_5:
0x12: {  	s15 =	sadd.s32 $0x4, s10  }
0x13: {  	s13 =	sadd.s32 $0x400, s11;
	s17 =	smov.u32 s11;
	p2 =	sgt.s32 s15, $0xC3  }
0x14: {  	s17 =	smov.u32 @p2 s13  }
0x15: {  	s15 =	smov.u32 @p2 s7;
	p2 =	sgt.s32 s17, $0x3FF  }
0x16: {  	s17 =	smov.u32 @p2 s3;
	p2 =	sne.s32 s12, s8  }
.Ltmp1:
0x17: {  	p1 =	slt.u32 s12, $0x2;
	(pc) =	sbr.rel @!p2 .LBB1_6-.Ltmp1, $4  }
0x18: {  	s16 =	simm.s32 @!p1 $0x2  }
0x19: {  	s14 =	smov.u32 s11;
	p0 =	por !p0, !p0;
	_ =	swait.ge @!p1 [sflag:s16], $0x2000  }
0x1a: {  	s13 =	smov.u32 s10;
	[sflag:s16] =	ssyncset.done @!p1 $0x0;
	s10 =	smov.u32 s15  }
0x1b: {  	s12 =	sadd.s32 $0x1, s12;
	[sflag:s16] =	ssyncadd.s32 @!p1 $0xFFFFE000;
	s11 =	smov.u32 s17  }
.LBB1_1:
0x1c: {  	p1 =	sge.u32 s12, s5  }
0x1d: {  	s15 =	sand.u32 @!p1 $0x1FFFFFF, s10  }
0x1e: {  	s16 =	smulhi.u32 @!p1 $0x147AE15, s15;
	_ =	sdelay $0x1  }
0x1f: {  	s16 =	smul.u32 @!p1 $0xC8, s16  }
0x20: {  	s17 =	sxor.u32 @!p1 $0xFFFFFFFF, s12;
	s18 =	smul.u32 @!p1 $0xC80, s11  }
0x21: {  	s31 =	sadd.s32 $0xFFFFFFFF, s12;
	s17 =	sshll.u32 @!p1 s17, $0xD;
	s15 =	ssub.s32 @!p1 s15, s16  }
0x22: {  	s16 =	sand.u32 @!p1 $0x2000, s17;
	s17 =	sadd.s32 @!p1 s6, s18;
	s15 =	sshll.u32 @!p1 s15, $0x4  }
0x23: {  	s18 =	simm.s32 @!p1 $0x6400;
	s15 =	sadd.s32 @!p1 s15, s17;
	s17 =	simm.s32 @!p1 $0x40  }
0x24: {  	[tilespmem:s16], [sflag:$0x1] =	stream.strided.gather @!p1 [hbm4b:s15+s17], $0x2000, s18, s17, $0x38;
	[tilespmem:$0x8080] =	vst v63  }
0x25: {  	p1 =	sge.u32 s31, s5  }
.Ltmp2:
0x26: {  	_ = 	snop;
	(pc) =	sbr.rel @p1 .LBB1_5-.Ltmp2, $1  }
0x27: {  	_ =	sdelay $0x3  }
0x28: {  	s15 =	simm.s32 $0x1  }
0x29: {  	_ =	swait.ge [sflag:s4], $0x2000;
	s15 =	simm.s32 @!p0 $0x0  }
0x2a: {  	[sflag:s4] =	ssyncset.done $0x0;
	s16 =	sshll.u32 s15, $0xD  }
0x2b: {  	[sflag:s4] =	ssyncadd.s32 $0xFFFFE000;
	s19 =	sor.u32 $0x20, s16  }
0x2c: {  	s15 =	smul.u32 $0x8100, s15;
	v3 =	vld [tilespmem:s19+$0x10]  }
0x2d: {  	s30 =	sand.u32 $0x1, s12;
	v2 =	vld [tilespmem:s19+$0xFFFFFFF0]  }
0x2e: {  	s16 =	smul.u32 $0x8100, s30;
	s15 =	sshrl.u32 s15, $0x2;
	v0 =	vld [tilespmem:s19+$0x0]  }
0x2f: {  	v1 =	vld [tilespmem:s19+$0xFFFFFFE0];
	s17 =	sor.u32 $0x4000, s15  }
0x30: {  	s31 =	sshrl.u32 s16, $0x2;
	s16 =	sadd.s32 $0x0, s17  }
0x31: {  	s18 =	simm.s32 $0x4;
	s19 =	sadd.s32 $0x40, s19;
	s15 =	sor.u32 $0x4000, s31;
	[tilespmem:s16+$0x1830 ss:$0x81] =	vst.msk $0xffff, v3  }
.LBB1_3:
0x32: {  	v3 =	vld [tilespmem:s19+$0x10];
	p1 =	sne.s32 s18, $0x1FC;
	[tilespmem:s16+$0x810 ss:$0x81] =	vst.msk $0xffff, v2;
	s20 =	smov.u32 s18;
	s18 =	sadd.s32 $0x4, s18  }
.Ltmp3:
0x33: {  	v2 =	vld [tilespmem:s19+$0xFFFFFFF0];
	[tilespmem:s16+$0x1020 ss:$0x81] =	vst.msk $0xffff, v0;
	(pc) =	sbr.rel @p1 .LBB1_3-.Ltmp3, $4  }
0x34: {  	v0 =	vld [tilespmem:s19+$0x0];
	[tilespmem:s16+$0x0 ss:$0x81] =	vst.msk $0xffff, v1  }
0x35: {  	s16 =	sshra.s32 s20, $0x2;
	v1 =	vld [tilespmem:s19+$0xFFFFFFE0]  }
0x36: {  	s16 =	sadd.s32 s16, s17  }
0x37: {  	s19 =	sadd.s32 $0x40, s19;
	[tilespmem:s16+$0x1830 ss:$0x81] =	vst.msk $0xffff, v3  }
.Ltmp4:
0x38: {  	_ = 	snop;
	(pc) =	sbr.rel .LBB1_4-.Ltmp4, $1  }
0x39: {  	_ =	sdelay $0x3  }
.LBB1_6:
0x3a: {  	_ =	sfence.sel $0x180000  }
0x3b: {  	s2 =	simm.s32 $0x1;
	[bflag:$0x0] =	sbarrier.arrive $0xFFFF  }
0x3c: {  	s31 =	simm.s32 $0x2;
	[sflag:s2] =	ssyncpa.u1 $0x1  }
0x3d: {  	[sflag:s31] =	ssyncpa.u1 $0x1  }
0x3e: {  	p0 =	sne.s32 s0, $0x0;
	_ =	strace $0x90000050  }
0x3f: {  	s0 =	sadd.s32 @!p0 $0x100000, s1;
	[bflag:$0x2] =	sbarrier.arrive $0xFFFF  }
0x40: {  	[sflag:s0] =	ssyncadd.tile.s32 @!p0 $0x1;
	_ =	shalt  }
.Lfunc_end1:
_tile_overlayer_lowered:
.L_overlay_start_2:
0x41: {  	(tag) =	ssettag $0x2  }
0x42: {  	s0 =	rddreg [dreg:$0x0];
	s2 =	stileid.u32  }
0x43: {  	s1 =	rddreg [dreg:$0x1];
	p0 =	sne.s32 s2, $0x0  }
0x44: {  	s3 =	rddreg [dreg:$0x2];
	[bflag:$0x3] =	sbarrier.arrive $0xFFFF;
	s2 =	simm.s32 @!p0 $0x1C01  }
0x45: {  	[timem:s3], [sflag:s2] =	dma.local @!p0 [hbm:s0], s1  }
0x46: {  	s0 =	simm.s32 @!p0 $0x1  }
0x47: {  	_ =	swait.ge @!p0 [sflag:s0], s1  }
0x48: {  	s1 =	ssub.s32 @!p0 $0x0, s1;
	[sflag:s0] =	ssyncset.done @!p0 $0x0  }
0x49: {  	[sflag:s0] =	ssyncadd.s32 @!p0 s1  }
0x4a: {  	[bflag:$0x3] =	sbarrier.arrive $0xFFFF  }
0x4b: {  	_ =	shalt  }

</sc_bundles>
